<compile_context>
chip_gen: v7x
topology: tpu7x:2x2x1
jax: 0.10.2.dev20260603
libtpu: 0.0.44.dev20260713+nightly
codegen_flags: <defaults>
</compile_context>

<pallas_src>
import functools

import jax
import jax.numpy as jnp
from jax import lax
from jax.experimental import pallas as pl
from jax.experimental.pallas import tpu as pltpu
from jax.experimental.pallas import tpu_sc as plsc

NC, NS = 2, 16
NW = NC * NS
SW = 128
NBUF = 4


@functools.partial(jax.jit, static_argnames=("s", "r", "d"))
def _gather(table, ids_t, s, r, d):
    def body(table_hbm, ids_hbm, out_hbm, idx_t, rows, tiles,
             isem, gsems, ssems):
        wid = lax.axis_index("s") * NC + lax.axis_index("c")
        s0 = wid * SW
        iota = lax.iota(jnp.int32, 16)

        pltpu.async_copy(ids_hbm.at[:, pl.ds(s0, SW)], idx_t, isem).wait()

        def fire(rr, b):
            pltpu.async_copy(table_hbm.at[idx_t.at[rr]], rows[b], gsems[b])

        def drain(b):
            pltpu.make_async_copy(table_hbm.at[idx_t.at[0]], rows[b],
                                  gsems[b]).wait()

        dvecs = [(iota + j) % 16 for j in range(16)]
        PD = 4

        def transpose_rows(b):
            def tr(i0, carry):
                rvec = i0 * 16 + iota
                for c0 in range(0, d, 16):
                    vals = {}
                    for j in range(16 + PD):
                        if j < 16:
                            cvec = dvecs[j] + c0 if c0 else dvecs[j]
                            vals[j] = (cvec, plsc.load_gather(
                                rows[b], [rvec, cvec]))
                        if j >= PD:
                            cvec, v = vals.pop(j - PD)
                            plsc.store_scatter(tiles[b], [cvec, rvec], v)
                return carry
            lax.fori_loop(0, SW // 16, tr, 0)

        def start_store(rr, b):
            pltpu.async_copy(tiles[b], out_hbm.at[rr, :, pl.ds(s0, SW)],
                             ssems[b])

        def wait_store(b):
            pltpu.make_async_copy(tiles[b], out_hbm.at[0, :, pl.ds(s0, SW)],
                                  ssems[b]).wait()

        for b in range(NBUF):
            fire(b, b)

        def step(rr, b):
            drain(b)

            @pl.when(rr >= NBUF)
            def _():
                wait_store(b)

            transpose_rows(b)

            @pl.when(rr + NBUF < r)
            def _():
                fire(rr + NBUF, b)

            start_store(rr, b)

        def quad(i, carry):
            for b in range(NBUF):
                step(NBUF * i + b, b)
            return carry

        lax.fori_loop(0, r // NBUF, quad, 0)
        for b in range(NBUF):
            wait_store(b)

    grid_kernel = pl.kernel(
        body,
        out_type=jax.ShapeDtypeStruct((r, d, s), jnp.float32),
        mesh=plsc.VectorSubcoreMesh(core_axis_name="c", subcore_axis_name="s"),
        scratch_types=[
            pltpu.VMEM((r, SW), jnp.int32),
            [pltpu.VMEM((SW, 128), jnp.float32)] * NBUF,
            [pltpu.VMEM((d, SW), jnp.float32)] * NBUF,
            pltpu.SemaphoreType.DMA,
            [pltpu.SemaphoreType.DMA] * NBUF,
            [pltpu.SemaphoreType.DMA] * NBUF,
        ],
        compiler_params=pltpu.CompilerParams(use_tc_tiling_on_sc=True,
                                             needs_layout_passes=False),
    )
    return grid_kernel(table, ids_t)


def kernel(input_ids, old_W, new_W):
    used, d = old_W.shape
    table = jnp.concatenate([jnp.pad(old_W, ((0, 0), (0, 128 - d))),
                             jnp.pad(new_W, ((0, 0), (0, 128 - d)))], axis=0)
    s, r = input_ids.shape
    out = _gather(table, input_ids.T, s, r, d)
    return jnp.transpose(out, (2, 0, 1))

# --- scband reference (transcript-rebuilt; emitter-appended) ---
"""Pipeline reference for scband-custom-embedding-54288386621905 (READ-ONLY COPY).

The authoritative reference and input builder live on the scoring server;
editing this copy changes nothing except your own understanding.
"""

import jax, jax.numpy as jnp
import numpy as np

USED_SIZE = 100000
NUM_NEW_TOKEN = 1000
EMB_DIM = 32

def setup_inputs(seed: int = 0) -> dict:
    key = jax.random.key(seed)
    k1, k2, k3 = jax.random.split(key, 3)
    input_ids = jax.random.randint(k1, (4096, 200), 0, USED_SIZE + NUM_NEW_TOKEN, dtype=jnp.int64 if jax.config.jax_enable_x64 else jnp.int32).astype(jnp.int32)
    old_W = jax.random.normal(k2, (USED_SIZE, EMB_DIM), dtype=jnp.float32)
    new_W = jax.random.normal(k3, (NUM_NEW_TOKEN, EMB_DIM), dtype=jnp.float32)
    return {"input_ids": input_ids, "old_W": old_W, "new_W": new_W}

def reference(input_ids, old_W, new_W):
    used_size = old_W.shape[0]
    num_new = new_W.shape[0]
    # num_new_token > 0 branch of CustomEmbedding.forward
    mask_new = input_ids >= used_size
    old_input_ids = jnp.clip(input_ids, 0, used_size - 1)
    new_input_ids = jnp.clip(input_ids - used_size, 0, num_new - 1)
    old_embeds = jnp.take(old_W, old_input_ids, axis=0)
    new_embeds = jnp.take(new_W, new_input_ids, axis=0)
    output_embeds = jnp.where(mask_new[..., None], new_embeds, old_embeds)
    return output_embeds

if __name__ == "__main__":
    import jax
    _d = setup_inputs()
    print(jax.jit(kernel)(*tuple(_d.values())))

</pallas_src>

<mosaic_0001>
#map = affine_map<(d0, d1) -> (0, 0)>
#map1 = affine_map<(d0, d1) -> (0, 0, 0)>
module attributes {stable_mosaic.version = 14 : i64} {
  func.func @body(%arg0: i32, %arg1: i32, %arg2: memref<101000x128xf32, #tpu.memory_space<hbm>>, %arg3: memref<200x4096xi32, #tpu.memory_space<hbm>>, %arg4: memref<200x32x4096xf32, #tpu.memory_space<hbm>>, %arg5: memref<200x128xi32, #tpu.memory_space<vmem>>, %arg6: memref<128x128xf32, #tpu.memory_space<vmem>>, %arg7: memref<128x128xf32, #tpu.memory_space<vmem>>, %arg8: memref<128x128xf32, #tpu.memory_space<vmem>>, %arg9: memref<128x128xf32, #tpu.memory_space<vmem>>, %arg10: memref<32x128xf32, #tpu.memory_space<vmem>>, %arg11: memref<32x128xf32, #tpu.memory_space<vmem>>, %arg12: memref<32x128xf32, #tpu.memory_space<vmem>>, %arg13: memref<32x128xf32, #tpu.memory_space<vmem>>, %arg14: memref<!tpu.dma_semaphore, #tpu.memory_space<semaphore_mem>>, %arg15: memref<!tpu.dma_semaphore, #tpu.memory_space<semaphore_mem>>, %arg16: memref<!tpu.dma_semaphore, #tpu.memory_space<semaphore_mem>>, %arg17: memref<!tpu.dma_semaphore, #tpu.memory_space<semaphore_mem>>, %arg18: memref<!tpu.dma_semaphore, #tpu.memory_space<semaphore_mem>>, %arg19: memref<!tpu.dma_semaphore, #tpu.memory_space<semaphore_mem>>, %arg20: memref<!tpu.dma_semaphore, #tpu.memory_space<semaphore_mem>>, %arg21: memref<!tpu.dma_semaphore, #tpu.memory_space<semaphore_mem>>, %arg22: memref<!tpu.dma_semaphore, #tpu.memory_space<semaphore_mem>>) attributes {dimension_semantics = [#tpu.dimension_semantics<core_parallel>, #tpu.dimension_semantics<subcore_parallel>], iteration_bounds = array<i64: 2, 16>, scalar_prefetch = 0 : i64, scratch_operands = 18 : i64, tpu.core_type = #tpu.core_type<sc_vector_subcore>, window_params = [{transform_indices = #map}, {transform_indices = #map}, {transform_indices = #map1}]} {
    %mul3A = arith.constant 2 : i32
    %mul3A_0 = arith.muli %arg1, %mul3A : i32
    %add3A = arith.addi %mul3A_0, %arg0 : i32
    %mul3A_1 = arith.constant 128 : i32
    %mul3A_2 = arith.muli %add3A, %mul3A_1 : i32
    %iota3A = tpu.iota {dimensions = array<i32: 0>} : vector<16xi32>
    %dma_start3A = arith.constant 0 : i32
    %dma_start3A_3 = tpu.memref_slice %arg3[%dma_start3A, %mul3A_2] : memref<200x4096xi32, #tpu.memory_space<hbm>> -> memref<200x128xi32, #tpu.memory_space<hbm>>
    %dma_start3A_4 = arith.constant 0 : i32
    %dma_start3A_5 = tpu.memref_slice %arg3[%dma_start3A_4, %mul3A_2] : memref<200x4096xi32, #tpu.memory_space<hbm>> -> memref<200x128xi32, #tpu.memory_space<hbm>>
    tpu.enqueue_dma source(%dma_start3A_5 : memref<200x128xi32, #tpu.memory_space<hbm>>) target(%arg5 : memref<200x128xi32, #tpu.memory_space<vmem>>) target_semaphore(%arg14 : memref<!tpu.dma_semaphore, #tpu.memory_space<semaphore_mem>>)
    %dma_wait3A = arith.constant 0 : i32
    %dma_wait3A_6 = tpu.memref_slice %arg3[%dma_wait3A, %mul3A_2] : memref<200x4096xi32, #tpu.memory_space<hbm>> -> memref<200x128xi32, #tpu.memory_space<hbm>>
    %dma_wait3A_7 = arith.constant 0 : i32
    %dma_wait3A_8 = tpu.memref_slice %arg3[%dma_wait3A_7, %mul3A_2] : memref<200x4096xi32, #tpu.memory_space<hbm>> -> memref<200x128xi32, #tpu.memory_space<hbm>>
    tpu.wait_dma2 semaphore(%arg14 : memref<!tpu.dma_semaphore, #tpu.memory_space<semaphore_mem>>) src(%dma_wait3A_8 : memref<200x128xi32, #tpu.memory_space<hbm>>) dst(%arg5 : memref<200x128xi32, #tpu.memory_space<vmem>>)
    %add3A_9 = arith.constant 0 : i32
    %add3A_10 = vector.broadcast %add3A_9 : i32 to vector<16xi32>
    %add3A_11 = arith.addi %iota3A, %add3A_10 : vector<16xi32>
    %jit3A = arith.constant 16 : i32
    %eq3A = arith.constant 0 : i32
    %eq3A_12 = arith.cmpi eq, %jit3A, %eq3A : i32
    %jit3A_13 = arith.constant 1 : i32
    %select_n3A = arith.select %eq3A_12, %jit3A_13, %jit3A : i32
    %rem3A = vector.broadcast %select_n3A : i32 to vector<16xi32>
    %rem3A_14 = arith.remsi %add3A_11, %rem3A : vector<16xi32>
    %ne3A = arith.constant 0 : i32
    %ne3A_15 = vector.broadcast %ne3A : i32 to vector<16xi32>
    %ne3A_16 = arith.cmpi ne, %rem3A_14, %ne3A_15 : vector<16xi32>
    %lt3A = arith.constant 0 : i32
    %lt3A_17 = vector.broadcast %lt3A : i32 to vector<16xi32>
    %lt3A_18 = arith.cmpi slt, %rem3A_14, %lt3A_17 : vector<16xi32>
    %lt3A_19 = arith.constant 0 : i32
    %lt3A_20 = arith.cmpi slt, %select_n3A, %lt3A_19 : i32
    %ne3A_21 = vector.broadcast %lt3A_20 : i1 to vector<16xi1>
    %ne3A_22 = vector.broadcast %ne3A_21 : vector<16xi1> to vector<16xi1>
    %ne3A_23 = arith.xori %lt3A_18, %ne3A_22 : vector<16xi1>
    %and3A = arith.andi %ne3A_23, %ne3A_16 : vector<16xi1>
    %add3A_24 = vector.broadcast %select_n3A : i32 to vector<16xi32>
    %add3A_25 = arith.addi %rem3A_14, %add3A_24 : vector<16xi32>
    %select_n3A_26 = arith.select %and3A, %add3A_25, %rem3A_14 : vector<16xi1>, vector<16xi32>
    %add3A_27 = arith.constant 1 : i32
    %add3A_28 = vector.broadcast %add3A_27 : i32 to vector<16xi32>
    %add3A_29 = arith.addi %iota3A, %add3A_28 : vector<16xi32>
    %jit3A_30 = arith.constant 16 : i32
    %eq3A_31 = arith.constant 0 : i32
    %eq3A_32 = arith.cmpi eq, %jit3A_30, %eq3A_31 : i32
    %jit3A_33 = arith.constant 1 : i32
    %select_n3A_34 = arith.select %eq3A_32, %jit3A_33, %jit3A_30 : i32
    %rem3A_35 = vector.broadcast %select_n3A_34 : i32 to vector<16xi32>
    %rem3A_36 = arith.remsi %add3A_29, %rem3A_35 : vector<16xi32>
    %ne3A_37 = arith.constant 0 : i32
    %ne3A_38 = vector.broadcast %ne3A_37 : i32 to vector<16xi32>
    %ne3A_39 = arith.cmpi ne, %rem3A_36, %ne3A_38 : vector<16xi32>
    %lt3A_40 = arith.constant 0 : i32
    %lt3A_41 = vector.broadcast %lt3A_40 : i32 to vector<16xi32>
    %lt3A_42 = arith.cmpi slt, %rem3A_36, %lt3A_41 : vector<16xi32>
    %lt3A_43 = arith.constant 0 : i32
    %lt3A_44 = arith.cmpi slt, %select_n3A_34, %lt3A_43 : i32
    %ne3A_45 = vector.broadcast %lt3A_44 : i1 to vector<16xi1>
    %ne3A_46 = vector.broadcast %ne3A_45 : vector<16xi1> to vector<16xi1>
    %ne3A_47 = arith.xori %lt3A_42, %ne3A_46 : vector<16xi1>
    %and3A_48 = arith.andi %ne3A_47, %ne3A_39 : vector<16xi1>
    %add3A_49 = vector.broadcast %select_n3A_34 : i32 to vector<16xi32>
    %add3A_50 = arith.addi %rem3A_36, %add3A_49 : vector<16xi32>
    %select_n3A_51 = arith.select %and3A_48, %add3A_50, %rem3A_36 : vector<16xi1>, vector<16xi32>
    %add3A_52 = arith.constant 2 : i32
    %add3A_53 = vector.broadcast %add3A_52 : i32 to vector<16xi32>
    %add3A_54 = arith.addi %iota3A, %add3A_53 : vector<16xi32>
    %jit3A_55 = arith.constant 16 : i32
    %eq3A_56 = arith.constant 0 : i32
    %eq3A_57 = arith.cmpi eq, %jit3A_55, %eq3A_56 : i32
    %jit3A_58 = arith.constant 1 : i32
    %select_n3A_59 = arith.select %eq3A_57, %jit3A_58, %jit3A_55 : i32
    %rem3A_60 = vector.broadcast %select_n3A_59 : i32 to vector<16xi32>
    %rem3A_61 = arith.remsi %add3A_54, %rem3A_60 : vector<16xi32>
    %ne3A_62 = arith.constant 0 : i32
    %ne3A_63 = vector.broadcast %ne3A_62 : i32 to vector<16xi32>
    %ne3A_64 = arith.cmpi ne, %rem3A_61, %ne3A_63 : vector<16xi32>
    %lt3A_65 = arith.constant 0 : i32
    %lt3A_66 = vector.broadcast %lt3A_65 : i32 to vector<16xi32>
    %lt3A_67 = arith.cmpi slt, %rem3A_61, %lt3A_66 : vector<16xi32>
    %lt3A_68 = arith.constant 0 : i32
    %lt3A_69 = arith.cmpi slt, %select_n3A_59, %lt3A_68 : i32
    %ne3A_70 = vector.broadcast %lt3A_69 : i1 to vector<16xi1>
    %ne3A_71 = vector.broadcast %ne3A_70 : vector<16xi1> to vector<16xi1>
    %ne3A_72 = arith.xori %lt3A_67, %ne3A_71 : vector<16xi1>
    %and3A_73 = arith.andi %ne3A_72, %ne3A_64 : vector<16xi1>
    %add3A_74 = vector.broadcast %select_n3A_59 : i32 to vector<16xi32>
    %add3A_75 = arith.addi %rem3A_61, %add3A_74 : vector<16xi32>
    %select_n3A_76 = arith.select %and3A_73, %add3A_75, %rem3A_61 : vector<16xi1>, vector<16xi32>
    %add3A_77 = arith.constant 3 : i32
    %add3A_78 = vector.broadcast %add3A_77 : i32 to vector<16xi32>
    %add3A_79 = arith.addi %iota3A, %add3A_78 : vector<16xi32>
    %jit3A_80 = arith.constant 16 : i32
    %eq3A_81 = arith.constant 0 : i32
    %eq3A_82 = arith.cmpi eq, %jit3A_80, %eq3A_81 : i32
    %jit3A_83 = arith.constant 1 : i32
    %select_n3A_84 = arith.select %eq3A_82, %jit3A_83, %jit3A_80 : i32
    %rem3A_85 = vector.broadcast %select_n3A_84 : i32 to vector<16xi32>
    %rem3A_86 = arith.remsi %add3A_79, %rem3A_85 : vector<16xi32>
    %ne3A_87 = arith.constant 0 : i32
    %ne3A_88 = vector.broadcast %ne3A_87 : i32 to vector<16xi32>
    %ne3A_89 = arith.cmpi ne, %rem3A_86, %ne3A_88 : vector<16xi32>
    %lt3A_90 = arith.constant 0 : i32
    %lt3A_91 = vector.broadcast %lt3A_90 : i32 to vector<16xi32>
    %lt3A_92 = arith.cmpi slt, %rem3A_86, %lt3A_91 : vector<16xi32>
    %lt3A_93 = arith.constant 0 : i32
    %lt3A_94 = arith.cmpi slt, %select_n3A_84, %lt3A_93 : i32
    %ne3A_95 = vector.broadcast %lt3A_94 : i1 to vector<16xi1>
    %ne3A_96 = vector.broadcast %ne3A_95 : vector<16xi1> to vector<16xi1>
    %ne3A_97 = arith.xori %lt3A_92, %ne3A_96 : vector<16xi1>
    %and3A_98 = arith.andi %ne3A_97, %ne3A_89 : vector<16xi1>
    %add3A_99 = vector.broadcast %select_n3A_84 : i32 to vector<16xi32>
    %add3A_100 = arith.addi %rem3A_86, %add3A_99 : vector<16xi32>
    %select_n3A_101 = arith.select %and3A_98, %add3A_100, %rem3A_86 : vector<16xi1>, vector<16xi32>
    %add3A_102 = arith.constant 4 : i32
    %add3A_103 = vector.broadcast %add3A_102 : i32 to vector<16xi32>
    %add3A_104 = arith.addi %iota3A, %add3A_103 : vector<16xi32>
    %jit3A_105 = arith.constant 16 : i32
    %eq3A_106 = arith.constant 0 : i32
    %eq3A_107 = arith.cmpi eq, %jit3A_105, %eq3A_106 : i32
    %jit3A_108 = arith.constant 1 : i32
    %select_n3A_109 = arith.select %eq3A_107, %jit3A_108, %jit3A_105 : i32
    %rem3A_110 = vector.broadcast %select_n3A_109 : i32 to vector<16xi32>
    %rem3A_111 = arith.remsi %add3A_104, %rem3A_110 : vector<16xi32>
    %ne3A_112 = arith.constant 0 : i32
    %ne3A_113 = vector.broadcast %ne3A_112 : i32 to vector<16xi32>
    %ne3A_114 = arith.cmpi ne, %rem3A_111, %ne3A_113 : vector<16xi32>
    %lt3A_115 = arith.constant 0 : i32
    %lt3A_116 = vector.broadcast %lt3A_115 : i32 to vector<16xi32>
    %lt3A_117 = arith.cmpi slt, %rem3A_111, %lt3A_116 : vector<16xi32>
    %lt3A_118 = arith.constant 0 : i32
    %lt3A_119 = arith.cmpi slt, %select_n3A_109, %lt3A_118 : i32
    %ne3A_120 = vector.broadcast %lt3A_119 : i1 to vector<16xi1>
    %ne3A_121 = vector.broadcast %ne3A_120 : vector<16xi1> to vector<16xi1>
    %ne3A_122 = arith.xori %lt3A_117, %ne3A_121 : vector<16xi1>
    %and3A_123 = arith.andi %ne3A_122, %ne3A_114 : vector<16xi1>
    %add3A_124 = vector.broadcast %select_n3A_109 : i32 to vector<16xi32>
    %add3A_125 = arith.addi %rem3A_111, %add3A_124 : vector<16xi32>
    %select_n3A_126 = arith.select %and3A_123, %add3A_125, %rem3A_111 : vector<16xi1>, vector<16xi32>
    %add3A_127 = arith.constant 5 : i32
    %add3A_128 = vector.broadcast %add3A_127 : i32 to vector<16xi32>
    %add3A_129 = arith.addi %iota3A, %add3A_128 : vector<16xi32>
    %jit3A_130 = arith.constant 16 : i32
    %eq3A_131 = arith.constant 0 : i32
    %eq3A_132 = arith.cmpi eq, %jit3A_130, %eq3A_131 : i32
    %jit3A_133 = arith.constant 1 : i32
    %select_n3A_134 = arith.select %eq3A_132, %jit3A_133, %jit3A_130 : i32
    %rem3A_135 = vector.broadcast %select_n3A_134 : i32 to vector<16xi32>
    %rem3A_136 = arith.remsi %add3A_129, %rem3A_135 : vector<16xi32>
    %ne3A_137 = arith.constant 0 : i32
    %ne3A_138 = vector.broadcast %ne3A_137 : i32 to vector<16xi32>
    %ne3A_139 = arith.cmpi ne, %rem3A_136, %ne3A_138 : vector<16xi32>
    %lt3A_140 = arith.constant 0 : i32
    %lt3A_141 = vector.broadcast %lt3A_140 : i32 to vector<16xi32>
    %lt3A_142 = arith.cmpi slt, %rem3A_136, %lt3A_141 : vector<16xi32>
    %lt3A_143 = arith.constant 0 : i32
    %lt3A_144 = arith.cmpi slt, %select_n3A_134, %lt3A_143 : i32
    %ne3A_145 = vector.broadcast %lt3A_144 : i1 to vector<16xi1>
    %ne3A_146 = vector.broadcast %ne3A_145 : vector<16xi1> to vector<16xi1>
    %ne3A_147 = arith.xori %lt3A_142, %ne3A_146 : vector<16xi1>
    %and3A_148 = arith.andi %ne3A_147, %ne3A_139 : vector<16xi1>
    %add3A_149 = vector.broadcast %select_n3A_134 : i32 to vector<16xi32>
    %add3A_150 = arith.addi %rem3A_136, %add3A_149 : vector<16xi32>
    %select_n3A_151 = arith.select %and3A_148, %add3A_150, %rem3A_136 : vector<16xi1>, vector<16xi32>
    %add3A_152 = arith.constant 6 : i32
    %add3A_153 = vector.broadcast %add3A_152 : i32 to vector<16xi32>
    %add3A_154 = arith.addi %iota3A, %add3A_153 : vector<16xi32>
    %jit3A_155 = arith.constant 16 : i32
    %eq3A_156 = arith.constant 0 : i32
    %eq3A_157 = arith.cmpi eq, %jit3A_155, %eq3A_156 : i32
    %jit3A_158 = arith.constant 1 : i32
    %select_n3A_159 = arith.select %eq3A_157, %jit3A_158, %jit3A_155 : i32
    %rem3A_160 = vector.broadcast %select_n3A_159 : i32 to vector<16xi32>
    %rem3A_161 = arith.remsi %add3A_154, %rem3A_160 : vector<16xi32>
    %ne3A_162 = arith.constant 0 : i32
    %ne3A_163 = vector.broadcast %ne3A_162 : i32 to vector<16xi32>
    %ne3A_164 = arith.cmpi ne, %rem3A_161, %ne3A_163 : vector<16xi32>
    %lt3A_165 = arith.constant 0 : i32
    %lt3A_166 = vector.broadcast %lt3A_165 : i32 to vector<16xi32>
    %lt3A_167 = arith.cmpi slt, %rem3A_161, %lt3A_166 : vector<16xi32>
    %lt3A_168 = arith.constant 0 : i32
    %lt3A_169 = arith.cmpi slt, %select_n3A_159, %lt3A_168 : i32
    %ne3A_170 = vector.broadcast %lt3A_169 : i1 to vector<16xi1>
    %ne3A_171 = vector.broadcast %ne3A_170 : vector<16xi1> to vector<16xi1>
    %ne3A_172 = arith.xori %lt3A_167, %ne3A_171 : vector<16xi1>
    %and3A_173 = arith.andi %ne3A_172, %ne3A_164 : vector<16xi1>
    %add3A_174 = vector.broadcast %select_n3A_159 : i32 to vector<16xi32>
    %add3A_175 = arith.addi %rem3A_161, %add3A_174 : vector<16xi32>
    %select_n3A_176 = arith.select %and3A_173, %add3A_175, %rem3A_161 : vector<16xi1>, vector<16xi32>
    %add3A_177 = arith.constant 7 : i32
    %add3A_178 = vector.broadcast %add3A_177 : i32 to vector<16xi32>
    %add3A_179 = arith.addi %iota3A, %add3A_178 : vector<16xi32>
    %jit3A_180 = arith.constant 16 : i32
    %eq3A_181 = arith.constant 0 : i32
    %eq3A_182 = arith.cmpi eq, %jit3A_180, %eq3A_181 : i32
    %jit3A_183 = arith.constant 1 : i32
    %select_n3A_184 = arith.select %eq3A_182, %jit3A_183, %jit3A_180 : i32
    %rem3A_185 = vector.broadcast %select_n3A_184 : i32 to vector<16xi32>
    %rem3A_186 = arith.remsi %add3A_179, %rem3A_185 : vector<16xi32>
    %ne3A_187 = arith.constant 0 : i32
    %ne3A_188 = vector.broadcast %ne3A_187 : i32 to vector<16xi32>
    %ne3A_189 = arith.cmpi ne, %rem3A_186, %ne3A_188 : vector<16xi32>
    %lt3A_190 = arith.constant 0 : i32
    %lt3A_191 = vector.broadcast %lt3A_190 : i32 to vector<16xi32>
    %lt3A_192 = arith.cmpi slt, %rem3A_186, %lt3A_191 : vector<16xi32>
    %lt3A_193 = arith.constant 0 : i32
    %lt3A_194 = arith.cmpi slt, %select_n3A_184, %lt3A_193 : i32
    %ne3A_195 = vector.broadcast %lt3A_194 : i1 to vector<16xi1>
    %ne3A_196 = vector.broadcast %ne3A_195 : vector<16xi1> to vector<16xi1>
    %ne3A_197 = arith.xori %lt3A_192, %ne3A_196 : vector<16xi1>
    %and3A_198 = arith.andi %ne3A_197, %ne3A_189 : vector<16xi1>
    %add3A_199 = vector.broadcast %select_n3A_184 : i32 to vector<16xi32>
    %add3A_200 = arith.addi %rem3A_186, %add3A_199 : vector<16xi32>
    %select_n3A_201 = arith.select %and3A_198, %add3A_200, %rem3A_186 : vector<16xi1>, vector<16xi32>
    %add3A_202 = arith.constant 8 : i32
    %add3A_203 = vector.broadcast %add3A_202 : i32 to vector<16xi32>
    %add3A_204 = arith.addi %iota3A, %add3A_203 : vector<16xi32>
    %jit3A_205 = arith.constant 16 : i32
    %eq3A_206 = arith.constant 0 : i32
    %eq3A_207 = arith.cmpi eq, %jit3A_205, %eq3A_206 : i32
    %jit3A_208 = arith.constant 1 : i32
    %select_n3A_209 = arith.select %eq3A_207, %jit3A_208, %jit3A_205 : i32
    %rem3A_210 = vector.broadcast %select_n3A_209 : i32 to vector<16xi32>
    %rem3A_211 = arith.remsi %add3A_204, %rem3A_210 : vector<16xi32>
    %ne3A_212 = arith.constant 0 : i32
    %ne3A_213 = vector.broadcast %ne3A_212 : i32 to vector<16xi32>
    %ne3A_214 = arith.cmpi ne, %rem3A_211, %ne3A_213 : vector<16xi32>
    %lt3A_215 = arith.constant 0 : i32
    %lt3A_216 = vector.broadcast %lt3A_215 : i32 to vector<16xi32>
    %lt3A_217 = arith.cmpi slt, %rem3A_211, %lt3A_216 : vector<16xi32>
    %lt3A_218 = arith.constant 0 : i32
    %lt3A_219 = arith.cmpi slt, %select_n3A_209, %lt3A_218 : i32
    %ne3A_220 = vector.broadcast %lt3A_219 : i1 to vector<16xi1>
    %ne3A_221 = vector.broadcast %ne3A_220 : vector<16xi1> to vector<16xi1>
    %ne3A_222 = arith.xori %lt3A_217, %ne3A_221 : vector<16xi1>
    %and3A_223 = arith.andi %ne3A_222, %ne3A_214 : vector<16xi1>
    %add3A_224 = vector.broadcast %select_n3A_209 : i32 to vector<16xi32>
    %add3A_225 = arith.addi %rem3A_211, %add3A_224 : vector<16xi32>
    %select_n3A_226 = arith.select %and3A_223, %add3A_225, %rem3A_211 : vector<16xi1>, vector<16xi32>
    %add3A_227 = arith.constant 9 : i32
    %add3A_228 = vector.broadcast %add3A_227 : i32 to vector<16xi32>
    %add3A_229 = arith.addi %iota3A, %add3A_228 : vector<16xi32>
    %jit3A_230 = arith.constant 16 : i32
    %eq3A_231 = arith.constant 0 : i32
    %eq3A_232 = arith.cmpi eq, %jit3A_230, %eq3A_231 : i32
    %jit3A_233 = arith.constant 1 : i32
    %select_n3A_234 = arith.select %eq3A_232, %jit3A_233, %jit3A_230 : i32
    %rem3A_235 = vector.broadcast %select_n3A_234 : i32 to vector<16xi32>
    %rem3A_236 = arith.remsi %add3A_229, %rem3A_235 : vector<16xi32>
    %ne3A_237 = arith.constant 0 : i32
    %ne3A_238 = vector.broadcast %ne3A_237 : i32 to vector<16xi32>
    %ne3A_239 = arith.cmpi ne, %rem3A_236, %ne3A_238 : vector<16xi32>
    %lt3A_240 = arith.constant 0 : i32
    %lt3A_241 = vector.broadcast %lt3A_240 : i32 to vector<16xi32>
    %lt3A_242 = arith.cmpi slt, %rem3A_236, %lt3A_241 : vector<16xi32>
    %lt3A_243 = arith.constant 0 : i32
    %lt3A_244 = arith.cmpi slt, %select_n3A_234, %lt3A_243 : i32
    %ne3A_245 = vector.broadcast %lt3A_244 : i1 to vector<16xi1>
    %ne3A_246 = vector.broadcast %ne3A_245 : vector<16xi1> to vector<16xi1>
    %ne3A_247 = arith.xori %lt3A_242, %ne3A_246 : vector<16xi1>
    %and3A_248 = arith.andi %ne3A_247, %ne3A_239 : vector<16xi1>
    %add3A_249 = vector.broadcast %select_n3A_234 : i32 to vector<16xi32>
    %add3A_250 = arith.addi %rem3A_236, %add3A_249 : vector<16xi32>
    %select_n3A_251 = arith.select %and3A_248, %add3A_250, %rem3A_236 : vector<16xi1>, vector<16xi32>
    %add3A_252 = arith.constant 10 : i32
    %add3A_253 = vector.broadcast %add3A_252 : i32 to vector<16xi32>
    %add3A_254 = arith.addi %iota3A, %add3A_253 : vector<16xi32>
    %jit3A_255 = arith.constant 16 : i32
    %eq3A_256 = arith.constant 0 : i32
    %eq3A_257 = arith.cmpi eq, %jit3A_255, %eq3A_256 : i32
    %jit3A_258 = arith.constant 1 : i32
    %select_n3A_259 = arith.select %eq3A_257, %jit3A_258, %jit3A_255 : i32
    %rem3A_260 = vector.broadcast %select_n3A_259 : i32 to vector<16xi32>
    %rem3A_261 = arith.remsi %add3A_254, %rem3A_260 : vector<16xi32>
    %ne3A_262 = arith.constant 0 : i32
    %ne3A_263 = vector.broadcast %ne3A_262 : i32 to vector<16xi32>
    %ne3A_264 = arith.cmpi ne, %rem3A_261, %ne3A_263 : vector<16xi32>
    %lt3A_265 = arith.constant 0 : i32
    %lt3A_266 = vector.broadcast %lt3A_265 : i32 to vector<16xi32>
    %lt3A_267 = arith.cmpi slt, %rem3A_261, %lt3A_266 : vector<16xi32>
    %lt3A_268 = arith.constant 0 : i32
    %lt3A_269 = arith.cmpi slt, %select_n3A_259, %lt3A_268 : i32
    %ne3A_270 = vector.broadcast %lt3A_269 : i1 to vector<16xi1>
    %ne3A_271 = vector.broadcast %ne3A_270 : vector<16xi1> to vector<16xi1>
    %ne3A_272 = arith.xori %lt3A_267, %ne3A_271 : vector<16xi1>
    %and3A_273 = arith.andi %ne3A_272, %ne3A_264 : vector<16xi1>
    %add3A_274 = vector.broadcast %select_n3A_259 : i32 to vector<16xi32>
    %add3A_275 = arith.addi %rem3A_261, %add3A_274 : vector<16xi32>
    %select_n3A_276 = arith.select %and3A_273, %add3A_275, %rem3A_261 : vector<16xi1>, vector<16xi32>
    %add3A_277 = arith.constant 11 : i32
    %add3A_278 = vector.broadcast %add3A_277 : i32 to vector<16xi32>
    %add3A_279 = arith.addi %iota3A, %add3A_278 : vector<16xi32>
    %jit3A_280 = arith.constant 16 : i32
    %eq3A_281 = arith.constant 0 : i32
    %eq3A_282 = arith.cmpi eq, %jit3A_280, %eq3A_281 : i32
    %jit3A_283 = arith.constant 1 : i32
    %select_n3A_284 = arith.select %eq3A_282, %jit3A_283, %jit3A_280 : i32
    %rem3A_285 = vector.broadcast %select_n3A_284 : i32 to vector<16xi32>
    %rem3A_286 = arith.remsi %add3A_279, %rem3A_285 : vector<16xi32>
    %ne3A_287 = arith.constant 0 : i32
    %ne3A_288 = vector.broadcast %ne3A_287 : i32 to vector<16xi32>
    %ne3A_289 = arith.cmpi ne, %rem3A_286, %ne3A_288 : vector<16xi32>
    %lt3A_290 = arith.constant 0 : i32
    %lt3A_291 = vector.broadcast %lt3A_290 : i32 to vector<16xi32>
    %lt3A_292 = arith.cmpi slt, %rem3A_286, %lt3A_291 : vector<16xi32>
    %lt3A_293 = arith.constant 0 : i32
    %lt3A_294 = arith.cmpi slt, %select_n3A_284, %lt3A_293 : i32
    %ne3A_295 = vector.broadcast %lt3A_294 : i1 to vector<16xi1>
    %ne3A_296 = vector.broadcast %ne3A_295 : vector<16xi1> to vector<16xi1>
    %ne3A_297 = arith.xori %lt3A_292, %ne3A_296 : vector<16xi1>
    %and3A_298 = arith.andi %ne3A_297, %ne3A_289 : vector<16xi1>
    %add3A_299 = vector.broadcast %select_n3A_284 : i32 to vector<16xi32>
    %add3A_300 = arith.addi %rem3A_286, %add3A_299 : vector<16xi32>
    %select_n3A_301 = arith.select %and3A_298, %add3A_300, %rem3A_286 : vector<16xi1>, vector<16xi32>
    %add3A_302 = arith.constant 12 : i32
    %add3A_303 = vector.broadcast %add3A_302 : i32 to vector<16xi32>
    %add3A_304 = arith.addi %iota3A, %add3A_303 : vector<16xi32>
    %jit3A_305 = arith.constant 16 : i32
    %eq3A_306 = arith.constant 0 : i32
    %eq3A_307 = arith.cmpi eq, %jit3A_305, %eq3A_306 : i32
    %jit3A_308 = arith.constant 1 : i32
    %select_n3A_309 = arith.select %eq3A_307, %jit3A_308, %jit3A_305 : i32
    %rem3A_310 = vector.broadcast %select_n3A_309 : i32 to vector<16xi32>
    %rem3A_311 = arith.remsi %add3A_304, %rem3A_310 : vector<16xi32>
    %ne3A_312 = arith.constant 0 : i32
    %ne3A_313 = vector.broadcast %ne3A_312 : i32 to vector<16xi32>
    %ne3A_314 = arith.cmpi ne, %rem3A_311, %ne3A_313 : vector<16xi32>
    %lt3A_315 = arith.constant 0 : i32
    %lt3A_316 = vector.broadcast %lt3A_315 : i32 to vector<16xi32>
    %lt3A_317 = arith.cmpi slt, %rem3A_311, %lt3A_316 : vector<16xi32>
    %lt3A_318 = arith.constant 0 : i32
    %lt3A_319 = arith.cmpi slt, %select_n3A_309, %lt3A_318 : i32
    %ne3A_320 = vector.broadcast %lt3A_319 : i1 to vector<16xi1>
    %ne3A_321 = vector.broadcast %ne3A_320 : vector<16xi1> to vector<16xi1>
    %ne3A_322 = arith.xori %lt3A_317, %ne3A_321 : vector<16xi1>
    %and3A_323 = arith.andi %ne3A_322, %ne3A_314 : vector<16xi1>
    %add3A_324 = vector.broadcast %select_n3A_309 : i32 to vector<16xi32>
    %add3A_325 = arith.addi %rem3A_311, %add3A_324 : vector<16xi32>
    %select_n3A_326 = arith.select %and3A_323, %add3A_325, %rem3A_311 : vector<16xi1>, vector<16xi32>
    %add3A_327 = arith.constant 13 : i32
    %add3A_328 = vector.broadcast %add3A_327 : i32 to vector<16xi32>
    %add3A_329 = arith.addi %iota3A, %add3A_328 : vector<16xi32>
    %jit3A_330 = arith.constant 16 : i32
    %eq3A_331 = arith.constant 0 : i32
    %eq3A_332 = arith.cmpi eq, %jit3A_330, %eq3A_331 : i32
    %jit3A_333 = arith.constant 1 : i32
    %select_n3A_334 = arith.select %eq3A_332, %jit3A_333, %jit3A_330 : i32
    %rem3A_335 = vector.broadcast %select_n3A_334 : i32 to vector<16xi32>
    %rem3A_336 = arith.remsi %add3A_329, %rem3A_335 : vector<16xi32>
    %ne3A_337 = arith.constant 0 : i32
    %ne3A_338 = vector.broadcast %ne3A_337 : i32 to vector<16xi32>
    %ne3A_339 = arith.cmpi ne, %rem3A_336, %ne3A_338 : vector<16xi32>
    %lt3A_340 = arith.constant 0 : i32
    %lt3A_341 = vector.broadcast %lt3A_340 : i32 to vector<16xi32>
    %lt3A_342 = arith.cmpi slt, %rem3A_336, %lt3A_341 : vector<16xi32>
    %lt3A_343 = arith.constant 0 : i32
    %lt3A_344 = arith.cmpi slt, %select_n3A_334, %lt3A_343 : i32
    %ne3A_345 = vector.broadcast %lt3A_344 : i1 to vector<16xi1>
    %ne3A_346 = vector.broadcast %ne3A_345 : vector<16xi1> to vector<16xi1>
    %ne3A_347 = arith.xori %lt3A_342, %ne3A_346 : vector<16xi1>
    %and3A_348 = arith.andi %ne3A_347, %ne3A_339 : vector<16xi1>
    %add3A_349 = vector.broadcast %select_n3A_334 : i32 to vector<16xi32>
    %add3A_350 = arith.addi %rem3A_336, %add3A_349 : vector<16xi32>
    %select_n3A_351 = arith.select %and3A_348, %add3A_350, %rem3A_336 : vector<16xi1>, vector<16xi32>
    %add3A_352 = arith.constant 14 : i32
    %add3A_353 = vector.broadcast %add3A_352 : i32 to vector<16xi32>
    %add3A_354 = arith.addi %iota3A, %add3A_353 : vector<16xi32>
    %jit3A_355 = arith.constant 16 : i32
    %eq3A_356 = arith.constant 0 : i32
    %eq3A_357 = arith.cmpi eq, %jit3A_355, %eq3A_356 : i32
    %jit3A_358 = arith.constant 1 : i32
    %select_n3A_359 = arith.select %eq3A_357, %jit3A_358, %jit3A_355 : i32
    %rem3A_360 = vector.broadcast %select_n3A_359 : i32 to vector<16xi32>
    %rem3A_361 = arith.remsi %add3A_354, %rem3A_360 : vector<16xi32>
    %ne3A_362 = arith.constant 0 : i32
    %ne3A_363 = vector.broadcast %ne3A_362 : i32 to vector<16xi32>
    %ne3A_364 = arith.cmpi ne, %rem3A_361, %ne3A_363 : vector<16xi32>
    %lt3A_365 = arith.constant 0 : i32
    %lt3A_366 = vector.broadcast %lt3A_365 : i32 to vector<16xi32>
    %lt3A_367 = arith.cmpi slt, %rem3A_361, %lt3A_366 : vector<16xi32>
    %lt3A_368 = arith.constant 0 : i32
    %lt3A_369 = arith.cmpi slt, %select_n3A_359, %lt3A_368 : i32
    %ne3A_370 = vector.broadcast %lt3A_369 : i1 to vector<16xi1>
    %ne3A_371 = vector.broadcast %ne3A_370 : vector<16xi1> to vector<16xi1>
    %ne3A_372 = arith.xori %lt3A_367, %ne3A_371 : vector<16xi1>
    %and3A_373 = arith.andi %ne3A_372, %ne3A_364 : vector<16xi1>
    %add3A_374 = vector.broadcast %select_n3A_359 : i32 to vector<16xi32>
    %add3A_375 = arith.addi %rem3A_361, %add3A_374 : vector<16xi32>
    %select_n3A_376 = arith.select %and3A_373, %add3A_375, %rem3A_361 : vector<16xi1>, vector<16xi32>
    %add3A_377 = arith.constant 15 : i32
    %add3A_378 = vector.broadcast %add3A_377 : i32 to vector<16xi32>
    %add3A_379 = arith.addi %iota3A, %add3A_378 : vector<16xi32>
    %jit3A_380 = arith.constant 16 : i32
    %eq3A_381 = arith.constant 0 : i32
    %eq3A_382 = arith.cmpi eq, %jit3A_380, %eq3A_381 : i32
    %jit3A_383 = arith.constant 1 : i32
    %select_n3A_384 = arith.select %eq3A_382, %jit3A_383, %jit3A_380 : i32
    %rem3A_385 = vector.broadcast %select_n3A_384 : i32 to vector<16xi32>
    %rem3A_386 = arith.remsi %add3A_379, %rem3A_385 : vector<16xi32>
    %ne3A_387 = arith.constant 0 : i32
    %ne3A_388 = vector.broadcast %ne3A_387 : i32 to vector<16xi32>
    %ne3A_389 = arith.cmpi ne, %rem3A_386, %ne3A_388 : vector<16xi32>
    %lt3A_390 = arith.constant 0 : i32
    %lt3A_391 = vector.broadcast %lt3A_390 : i32 to vector<16xi32>
    %lt3A_392 = arith.cmpi slt, %rem3A_386, %lt3A_391 : vector<16xi32>
    %lt3A_393 = arith.constant 0 : i32
    %lt3A_394 = arith.cmpi slt, %select_n3A_384, %lt3A_393 : i32
    %ne3A_395 = vector.broadcast %lt3A_394 : i1 to vector<16xi1>
    %ne3A_396 = vector.broadcast %ne3A_395 : vector<16xi1> to vector<16xi1>
    %ne3A_397 = arith.xori %lt3A_392, %ne3A_396 : vector<16xi1>
    %and3A_398 = arith.andi %ne3A_397, %ne3A_389 : vector<16xi1>
    %add3A_399 = vector.broadcast %select_n3A_384 : i32 to vector<16xi32>
    %add3A_400 = arith.addi %rem3A_386, %add3A_399 : vector<16xi32>
    %select_n3A_401 = arith.select %and3A_398, %add3A_400, %rem3A_386 : vector<16xi1>, vector<16xi32>
    %dma_start3A_402 = arith.constant 0 : i32
    %dma_start3A_403 = arith.constant 0 : i32
    %dma_start3A_404 = tpu.memref_slice %arg5[%dma_start3A_402, %dma_start3A_403] : memref<200x128xi32, #tpu.memory_space<vmem>> -> memref<1x128xi32, #tpu.memory_space<vmem>>
    %dma_start3A_405 = tpu.memref_squeeze %dma_start3A_404 : memref<1x128xi32, #tpu.memory_space<vmem>> -> memref<128xi32, #tpu.memory_space<vmem>>
    %dma_start3A_406 = arith.constant 0 : i32
    %dma_start3A_407 = arith.constant 0 : i32
    %dma_start3A_408 = tpu.memref_slice %arg2[%dma_start3A_406, %dma_start3A_407] : memref<101000x128xf32, #tpu.memory_space<hbm>> -> memref<101000x128xf32, #tpu.memory_space<hbm>>
    tpu.enqueue_indirect_dma source(%dma_start3A_408 : memref<101000x128xf32, #tpu.memory_space<hbm>>) target(%arg6 : memref<128x128xf32, #tpu.memory_space<vmem>>) offsets(%dma_start3A_405 : memref<128xi32, #tpu.memory_space<vmem>>) semaphore(%arg15 : memref<!tpu.dma_semaphore, #tpu.memory_space<semaphore_mem>>)
    %dma_start3A_409 = arith.constant 1 : i32
    %dma_start3A_410 = arith.constant 0 : i32
    %dma_start3A_411 = tpu.memref_slice %arg5[%dma_start3A_409, %dma_start3A_410] : memref<200x128xi32, #tpu.memory_space<vmem>> -> memref<1x128xi32, #tpu.memory_space<vmem>>
    %dma_start3A_412 = tpu.memref_squeeze %dma_start3A_411 : memref<1x128xi32, #tpu.memory_space<vmem>> -> memref<128xi32, #tpu.memory_space<vmem>>
    %dma_start3A_413 = arith.constant 0 : i32
    %dma_start3A_414 = arith.constant 0 : i32
    %dma_start3A_415 = tpu.memref_slice %arg2[%dma_start3A_413, %dma_start3A_414] : memref<101000x128xf32, #tpu.memory_space<hbm>> -> memref<101000x128xf32, #tpu.memory_space<hbm>>
    tpu.enqueue_indirect_dma source(%dma_start3A_415 : memref<101000x128xf32, #tpu.memory_space<hbm>>) target(%arg7 : memref<128x128xf32, #tpu.memory_space<vmem>>) offsets(%dma_start3A_412 : memref<128xi32, #tpu.memory_space<vmem>>) semaphore(%arg16 : memref<!tpu.dma_semaphore, #tpu.memory_space<semaphore_mem>>)
    %dma_start3A_416 = arith.constant 2 : i32
    %dma_start3A_417 = arith.constant 0 : i32
    %dma_start3A_418 = tpu.memref_slice %arg5[%dma_start3A_416, %dma_start3A_417] : memref<200x128xi32, #tpu.memory_space<vmem>> -> memref<1x128xi32, #tpu.memory_space<vmem>>
    %dma_start3A_419 = tpu.memref_squeeze %dma_start3A_418 : memref<1x128xi32, #tpu.memory_space<vmem>> -> memref<128xi32, #tpu.memory_space<vmem>>
    %dma_start3A_420 = arith.constant 0 : i32
    %dma_start3A_421 = arith.constant 0 : i32
    %dma_start3A_422 = tpu.memref_slice %arg2[%dma_start3A_420, %dma_start3A_421] : memref<101000x128xf32, #tpu.memory_space<hbm>> -> memref<101000x128xf32, #tpu.memory_space<hbm>>
    tpu.enqueue_indirect_dma source(%dma_start3A_422 : memref<101000x128xf32, #tpu.memory_space<hbm>>) target(%arg8 : memref<128x128xf32, #tpu.memory_space<vmem>>) offsets(%dma_start3A_419 : memref<128xi32, #tpu.memory_space<vmem>>) semaphore(%arg17 : memref<!tpu.dma_semaphore, #tpu.memory_space<semaphore_mem>>)
    %dma_start3A_423 = arith.constant 3 : i32
    %dma_start3A_424 = arith.constant 0 : i32
    %dma_start3A_425 = tpu.memref_slice %arg5[%dma_start3A_423, %dma_start3A_424] : memref<200x128xi32, #tpu.memory_space<vmem>> -> memref<1x128xi32, #tpu.memory_space<vmem>>
    %dma_start3A_426 = tpu.memref_squeeze %dma_start3A_425 : memref<1x128xi32, #tpu.memory_space<vmem>> -> memref<128xi32, #tpu.memory_space<vmem>>
    %dma_start3A_427 = arith.constant 0 : i32
    %dma_start3A_428 = arith.constant 0 : i32
    %dma_start3A_429 = tpu.memref_slice %arg2[%dma_start3A_427, %dma_start3A_428] : memref<101000x128xf32, #tpu.memory_space<hbm>> -> memref<101000x128xf32, #tpu.memory_space<hbm>>
    tpu.enqueue_indirect_dma source(%dma_start3A_429 : memref<101000x128xf32, #tpu.memory_space<hbm>>) target(%arg9 : memref<128x128xf32, #tpu.memory_space<vmem>>) offsets(%dma_start3A_426 : memref<128xi32, #tpu.memory_space<vmem>>) semaphore(%arg18 : memref<!tpu.dma_semaphore, #tpu.memory_space<semaphore_mem>>)
    %scan3A = arith.constant 0 : i32
    %scan3A_430 = arith.constant 0 : i32
    %scan3A_431 = arith.constant 50 : i32
    %scan3A_432 = arith.addi %scan3A_430, %scan3A_431 : i32
    %scan3A_433 = arith.constant 1 : i32
    scf.for %scan3A_463 = %scan3A_430 to %scan3A_432 step %scan3A_433  : i32 {
      %mul3A_464 = arith.constant 4 : i32
      %mul3A_465 = arith.muli %mul3A_464, %scan3A_463 : i32
      %add3A_466 = arith.constant 0 : i32
      %add3A_467 = arith.addi %mul3A_465, %add3A_466 : i32
      %dma_wait3A_468 = arith.constant 0 : i32
      %dma_wait3A_469 = arith.constant 0 : i32
      %dma_wait3A_470 = tpu.memref_slice %arg5[%dma_wait3A_468, %dma_wait3A_469] : memref<200x128xi32, #tpu.memory_space<vmem>> -> memref<1x128xi32, #tpu.memory_space<vmem>>
      %dma_wait3A_471 = tpu.memref_squeeze %dma_wait3A_470 : memref<1x128xi32, #tpu.memory_space<vmem>> -> memref<128xi32, #tpu.memory_space<vmem>>
      %dma_wait3A_472 = arith.constant 0 : i32
      %dma_wait3A_473 = arith.constant 0 : i32
      %dma_wait3A_474 = tpu.memref_slice %arg2[%dma_wait3A_472, %dma_wait3A_473] : memref<101000x128xf32, #tpu.memory_space<hbm>> -> memref<101000x128xf32, #tpu.memory_space<hbm>>
      tpu.wait_indirect_dma semaphore(%arg15 : memref<!tpu.dma_semaphore, #tpu.memory_space<semaphore_mem>>) src(%dma_wait3A_474 : memref<101000x128xf32, #tpu.memory_space<hbm>>) dst(%arg6 : memref<128x128xf32, #tpu.memory_space<vmem>>)
      %ge3A = arith.constant 4 : i32
      %ge3A_475 = arith.cmpi sge, %add3A_467, %ge3A : i32
      %convert_element_type3A = arith.extui %ge3A_475 : i1 to i32
      %cond3A = arith.constant 0 : i32
      %cond3A_476 = arith.cmpi ne, %convert_element_type3A, %cond3A : i32
      scf.if %cond3A_476 {
        %dma_wait3A_601 = arith.constant 0 : i32
        %dma_wait3A_602 = arith.constant 0 : i32
        %dma_wait3A_603 = tpu.memref_slice %arg4[%dma_wait3A_601, %dma_wait3A_602, %mul3A_2] : memref<200x32x4096xf32, #tpu.memory_space<hbm>> -> memref<1x32x128xf32, #tpu.memory_space<hbm>>
        %dma_wait3A_604 = tpu.memref_squeeze %dma_wait3A_603 : memref<1x32x128xf32, #tpu.memory_space<hbm>> -> memref<32x128xf32, #tpu.memory_space<hbm>>
        %dma_wait3A_605 = arith.constant 0 : i32
        %dma_wait3A_606 = tpu.memref_slice %arg4[%dma_wait3A_601, %dma_wait3A_605, %mul3A_2] : memref<200x32x4096xf32, #tpu.memory_space<hbm>> -> memref<1x32x128xf32, #tpu.memory_space<hbm>>
        %dma_wait3A_607 = tpu.memref_squeeze %dma_wait3A_606 : memref<1x32x128xf32, #tpu.memory_space<hbm>> -> memref<32x128xf32, #tpu.memory_space<hbm>>
        tpu.wait_dma2 semaphore(%arg19 : memref<!tpu.dma_semaphore, #tpu.memory_space<semaphore_mem>>) src(%arg10 : memref<32x128xf32, #tpu.memory_space<vmem>>) dst(%dma_wait3A_607 : memref<32x128xf32, #tpu.memory_space<hbm>>)
      } else {
      }
      %scan3A_477 = arith.constant 0 : i32
      %scan3A_478 = arith.constant 0 : i32
      %scan3A_479 = arith.constant 8 : i32
      %scan3A_480 = arith.addi %scan3A_478, %scan3A_479 : i32
      %scan3A_481 = arith.constant 1 : i32
      scf.for %scan3A_601 = %scan3A_478 to %scan3A_480 step %scan3A_481  : i32 {
        %mul3A_602 = arith.constant 16 : i32
        %mul3A_603 = arith.muli %scan3A_601, %mul3A_602 : i32
        %add3A_604 = vector.broadcast %mul3A_603 : i32 to vector<16xi32>
        %add3A_605 = arith.addi %add3A_604, %iota3A : vector<16xi32>
        %gather3A = tpu.vector_load_idx %arg6[%add3A_605, %select_n3A_26] : memref<128x128xf32, #tpu.memory_space<vmem>>[vector<16xi32>, vector<16xi32>], vector<16xf32>,
        %gather3A_606 = tpu.vector_load_idx %arg6[%add3A_605, %select_n3A_51] : memref<128x128xf32, #tpu.memory_space<vmem>>[vector<16xi32>, vector<16xi32>], vector<16xf32>,
        %gather3A_607 = tpu.vector_load_idx %arg6[%add3A_605, %select_n3A_76] : memref<128x128xf32, #tpu.memory_space<vmem>>[vector<16xi32>, vector<16xi32>], vector<16xf32>,
        %gather3A_608 = tpu.vector_load_idx %arg6[%add3A_605, %select_n3A_101] : memref<128x128xf32, #tpu.memory_space<vmem>>[vector<16xi32>, vector<16xi32>], vector<16xf32>,
        %gather3A_609 = tpu.vector_load_idx %arg6[%add3A_605, %select_n3A_126] : memref<128x128xf32, #tpu.memory_space<vmem>>[vector<16xi32>, vector<16xi32>], vector<16xf32>,
        tpu.vector_store_idx %arg10[%select_n3A_26, %add3A_605], %gather3A : memref<32x128xf32, #tpu.memory_space<vmem>>[vector<16xi32>, vector<16xi32>], vector<16xf32>,
        %gather3A_610 = tpu.vector_load_idx %arg6[%add3A_605, %select_n3A_151] : memref<128x128xf32, #tpu.memory_space<vmem>>[vector<16xi32>, vector<16xi32>], vector<16xf32>,
        tpu.vector_store_idx %arg10[%select_n3A_51, %add3A_605], %gather3A_606 : memref<32x128xf32, #tpu.memory_space<vmem>>[vector<16xi32>, vector<16xi32>], vector<16xf32>,
        %gather3A_611 = tpu.vector_load_idx %arg6[%add3A_605, %select_n3A_176] : memref<128x128xf32, #tpu.memory_space<vmem>>[vector<16xi32>, vector<16xi32>], vector<16xf32>,
        tpu.vector_store_idx %arg10[%select_n3A_76, %add3A_605], %gather3A_607 : memref<32x128xf32, #tpu.memory_space<vmem>>[vector<16xi32>, vector<16xi32>], vector<16xf32>,
        %gather3A_612 = tpu.vector_load_idx %arg6[%add3A_605, %select_n3A_201] : memref<128x128xf32, #tpu.memory_space<vmem>>[vector<16xi32>, vector<16xi32>], vector<16xf32>,
        tpu.vector_store_idx %arg10[%select_n3A_101, %add3A_605], %gather3A_608 : memref<32x128xf32, #tpu.memory_space<vmem>>[vector<16xi32>, vector<16xi32>], vector<16xf32>,
        %gather3A_613 = tpu.vector_load_idx %arg6[%add3A_605, %select_n3A_226] : memref<128x128xf32, #tpu.memory_space<vmem>>[vector<16xi32>, vector<16xi32>], vector<16xf32>,
        tpu.vector_store_idx %arg10[%select_n3A_126, %add3A_605], %gather3A_609 : memref<32x128xf32, #tpu.memory_space<vmem>>[vector<16xi32>, vector<16xi32>], vector<16xf32>,
        %gather3A_614 = tpu.vector_load_idx %arg6[%add3A_605, %select_n3A_251] : memref<128x128xf32, #tpu.memory_space<vmem>>[vector<16xi32>, vector<16xi32>], vector<16xf32>,
        tpu.vector_store_idx %arg10[%select_n3A_151, %add3A_605], %gather3A_610 : memref<32x128xf32, #tpu.memory_space<vmem>>[vector<16xi32>, vector<16xi32>], vector<16xf32>,
        %gather3A_615 = tpu.vector_load_idx %arg6[%add3A_605, %select_n3A_276] : memref<128x128xf32, #tpu.memory_space<vmem>>[vector<16xi32>, vector<16xi32>], vector<16xf32>,
        tpu.vector_store_idx %arg10[%select_n3A_176, %add3A_605], %gather3A_611 : memref<32x128xf32, #tpu.memory_space<vmem>>[vector<16xi32>, vector<16xi32>], vector<16xf32>,
        %gather3A_616 = tpu.vector_load_idx %arg6[%add3A_605, %select_n3A_301] : memref<128x128xf32, #tpu.memory_space<vmem>>[vector<16xi32>, vector<16xi32>], vector<16xf32>,
        tpu.vector_store_idx %arg10[%select_n3A_201, %add3A_605], %gather3A_612 : memref<32x128xf32, #tpu.memory_space<vmem>>[vector<16xi32>, vector<16xi32>], vector<16xf32>,
        %gather3A_617 = tpu.vector_load_idx %arg6[%add3A_605, %select_n3A_326] : memref<128x128xf32, #tpu.memory_space<vmem>>[vector<16xi32>, vector<16xi32>], vector<16xf32>,
        tpu.vector_store_idx %arg10[%select_n3A_226, %add3A_605], %gather3A_613 : memref<32x128xf32, #tpu.memory_space<vmem>>[vector<16xi32>, vector<16xi32>], vector<16xf32>,
        %gather3A_618 = tpu.vector_load_idx %arg6[%add3A_605, %select_n3A_351] : memref<128x128xf32, #tpu.memory_space<vmem>>[vector<16xi32>, vector<16xi32>], vector<16xf32>,
        tpu.vector_store_idx %arg10[%select_n3A_251, %add3A_605], %gather3A_614 : memref<32x128xf32, #tpu.memory_space<vmem>>[vector<16xi32>, vector<16xi32>], vector<16xf32>,
        %gather3A_619 = tpu.vector_load_idx %arg6[%add3A_605, %select_n3A_376] : memref<128x128xf32, #tpu.memory_space<vmem>>[vector<16xi32>, vector<16xi32>], vector<16xf32>,
        tpu.vector_store_idx %arg10[%select_n3A_276, %add3A_605], %gather3A_615 : memref<32x128xf32, #tpu.memory_space<vmem>>[vector<16xi32>, vector<16xi32>], vector<16xf32>,
        %gather3A_620 = tpu.vector_load_idx %arg6[%add3A_605, %select_n3A_401] : memref<128x128xf32, #tpu.memory_space<vmem>>[vector<16xi32>, vector<16xi32>], vector<16xf32>,
        tpu.vector_store_idx %arg10[%select_n3A_301, %add3A_605], %gather3A_616 : memref<32x128xf32, #tpu.memory_space<vmem>>[vector<16xi32>, vector<16xi32>], vector<16xf32>,
        tpu.vector_store_idx %arg10[%select_n3A_326, %add3A_605], %gather3A_617 : memref<32x128xf32, #tpu.memory_space<vmem>>[vector<16xi32>, vector<16xi32>], vector<16xf32>,
        tpu.vector_store_idx %arg10[%select_n3A_351, %add3A_605], %gather3A_618 : memref<32x128xf32, #tpu.memory_space<vmem>>[vector<16xi32>, vector<16xi32>], vector<16xf32>,
        tpu.vector_store_idx %arg10[%select_n3A_376, %add3A_605], %gather3A_619 : memref<32x128xf32, #tpu.memory_space<vmem>>[vector<16xi32>, vector<16xi32>], vector<16xf32>,
        tpu.vector_store_idx %arg10[%select_n3A_401, %add3A_605], %gather3A_620 : memref<32x128xf32, #tpu.memory_space<vmem>>[vector<16xi32>, vector<16xi32>], vector<16xf32>,
        %add3A_621 = arith.constant 16 : i32
        %add3A_622 = vector.broadcast %add3A_621 : i32 to vector<16xi32>
        %add3A_623 = arith.addi %select_n3A_26, %add3A_622 : vector<16xi32>
        %gather3A_624 = tpu.vector_load_idx %arg6[%add3A_605, %add3A_623] : memref<128x128xf32, #tpu.memory_space<vmem>>[vector<16xi32>, vector<16xi32>], vector<16xf32>,
        %add3A_625 = arith.constant 16 : i32
        %add3A_626 = vector.broadcast %add3A_625 : i32 to vector<16xi32>
        %add3A_627 = arith.addi %select_n3A_51, %add3A_626 : vector<16xi32>
        %gather3A_628 = tpu.vector_load_idx %arg6[%add3A_605, %add3A_627] : memref<128x128xf32, #tpu.memory_space<vmem>>[vector<16xi32>, vector<16xi32>], vector<16xf32>,
        %add3A_629 = arith.constant 16 : i32
        %add3A_630 = vector.broadcast %add3A_629 : i32 to vector<16xi32>
        %add3A_631 = arith.addi %select_n3A_76, %add3A_630 : vector<16xi32>
        %gather3A_632 = tpu.vector_load_idx %arg6[%add3A_605, %add3A_631] : memref<128x128xf32, #tpu.memory_space<vmem>>[vector<16xi32>, vector<16xi32>], vector<16xf32>,
        %add3A_633 = arith.constant 16 : i32
        %add3A_634 = vector.broadcast %add3A_633 : i32 to vector<16xi32>
        %add3A_635 = arith.addi %select_n3A_101, %add3A_634 : vector<16xi32>
        %gather3A_636 = tpu.vector_load_idx %arg6[%add3A_605, %add3A_635] : memref<128x128xf32, #tpu.memory_space<vmem>>[vector<16xi32>, vector<16xi32>], vector<16xf32>,
        %add3A_637 = arith.constant 16 : i32
        %add3A_638 = vector.broadcast %add3A_637 : i32 to vector<16xi32>
        %add3A_639 = arith.addi %select_n3A_126, %add3A_638 : vector<16xi32>
        %gather3A_640 = tpu.vector_load_idx %arg6[%add3A_605, %add3A_639] : memref<128x128xf32, #tpu.memory_space<vmem>>[vector<16xi32>, vector<16xi32>], vector<16xf32>,
        tpu.vector_store_idx %arg10[%add3A_623, %add3A_605], %gather3A_624 : memref<32x128xf32, #tpu.memory_space<vmem>>[vector<16xi32>, vector<16xi32>], vector<16xf32>,
        %add3A_641 = arith.constant 16 : i32
        %add3A_642 = vector.broadcast %add3A_641 : i32 to vector<16xi32>
        %add3A_643 = arith.addi %select_n3A_151, %add3A_642 : vector<16xi32>
        %gather3A_644 = tpu.vector_load_idx %arg6[%add3A_605, %add3A_643] : memref<128x128xf32, #tpu.memory_space<vmem>>[vector<16xi32>, vector<16xi32>], vector<16xf32>,
        tpu.vector_store_idx %arg10[%add3A_627, %add3A_605], %gather3A_628 : memref<32x128xf32, #tpu.memory_space<vmem>>[vector<16xi32>, vector<16xi32>], vector<16xf32>,
        %add3A_645 = arith.constant 16 : i32
        %add3A_646 = vector.broadcast %add3A_645 : i32 to vector<16xi32>
        %add3A_647 = arith.addi %select_n3A_176, %add3A_646 : vector<16xi32>
        %gather3A_648 = tpu.vector_load_idx %arg6[%add3A_605, %add3A_647] : memref<128x128xf32, #tpu.memory_space<vmem>>[vector<16xi32>, vector<16xi32>], vector<16xf32>,
        tpu.vector_store_idx %arg10[%add3A_631, %add3A_605], %gather3A_632 : memref<32x128xf32, #tpu.memory_space<vmem>>[vector<16xi32>, vector<16xi32>], vector<16xf32>,
        %add3A_649 = arith.constant 16 : i32
        %add3A_650 = vector.broadcast %add3A_649 : i32 to vector<16xi32>
        %add3A_651 = arith.addi %select_n3A_201, %add3A_650 : vector<16xi32>
        %gather3A_652 = tpu.vector_load_idx %arg6[%add3A_605, %add3A_651] : memref<128x128xf32, #tpu.memory_space<vmem>>[vector<16xi32>, vector<16xi32>], vector<16xf32>,
        tpu.vector_store_idx %arg10[%add3A_635, %add3A_605], %gather3A_636 : memref<32x128xf32, #tpu.memory_space<vmem>>[vector<16xi32>, vector<16xi32>], vector<16xf32>,
        %add3A_653 = arith.constant 16 : i32
        %add3A_654 = vector.broadcast %add3A_653 : i32 to vector<16xi32>
        %add3A_655 = arith.addi %select_n3A_226, %add3A_654 : vector<16xi32>
        %gather3A_656 = tpu.vector_load_idx %arg6[%add3A_605, %add3A_655] : memref<128x128xf32, #tpu.memory_space<vmem>>[vector<16xi32>, vector<16xi32>], vector<16xf32>,
        tpu.vector_store_idx %arg10[%add3A_639, %add3A_605], %gather3A_640 : memref<32x128xf32, #tpu.memory_space<vmem>>[vector<16xi32>, vector<16xi32>], vector<16xf32>,
        %add3A_657 = arith.constant 16 : i32
        %add3A_658 = vector.broadcast %add3A_657 : i32 to vector<16xi32>
        %add3A_659 = arith.addi %select_n3A_251, %add3A_658 : vector<16xi32>
        %gather3A_660 = tpu.vector_load_idx %arg6[%add3A_605, %add3A_659] : memref<128x128xf32, #tpu.memory_space<vmem>>[vector<16xi32>, vector<16xi32>], vector<16xf32>,
        tpu.vector_store_idx %arg10[%add3A_643, %add3A_605], %gather3A_644 : memref<32x128xf32, #tpu.memory_space<vmem>>[vector<16xi32>, vector<16xi32>], vector<16xf32>,
        %add3A_661 = arith.constant 16 : i32
        %add3A_662 = vector.broadcast %add3A_661 : i32 to vector<16xi32>
        %add3A_663 = arith.addi %select_n3A_276, %add3A_662 : vector<16xi32>
        %gather3A_664 = tpu.vector_load_idx %arg6[%add3A_605, %add3A_663] : memref<128x128xf32, #tpu.memory_space<vmem>>[vector<16xi32>, vector<16xi32>], vector<16xf32>,
        tpu.vector_store_idx %arg10[%add3A_647, %add3A_605], %gather3A_648 : memref<32x128xf32, #tpu.memory_space<vmem>>[vector<16xi32>, vector<16xi32>], vector<16xf32>,
        %add3A_665 = arith.constant 16 : i32
        %add3A_666 = vector.broadcast %add3A_665 : i32 to vector<16xi32>
        %add3A_667 = arith.addi %select_n3A_301, %add3A_666 : vector<16xi32>
        %gather3A_668 = tpu.vector_load_idx %arg6[%add3A_605, %add3A_667] : memref<128x128xf32, #tpu.memory_space<vmem>>[vector<16xi32>, vector<16xi32>], vector<16xf32>,
        tpu.vector_store_idx %arg10[%add3A_651, %add3A_605], %gather3A_652 : memref<32x128xf32, #tpu.memory_space<vmem>>[vector<16xi32>, vector<16xi32>], vector<16xf32>,
        %add3A_669 = arith.constant 16 : i32
        %add3A_670 = vector.broadcast %add3A_669 : i32 to vector<16xi32>
        %add3A_671 = arith.addi %select_n3A_326, %add3A_670 : vector<16xi32>
        %gather3A_672 = tpu.vector_load_idx %arg6[%add3A_605, %add3A_671] : memref<128x128xf32, #tpu.memory_space<vmem>>[vector<16xi32>, vector<16xi32>], vector<16xf32>,
        tpu.vector_store_idx %arg10[%add3A_655, %add3A_605], %gather3A_656 : memref<32x128xf32, #tpu.memory_space<vmem>>[vector<16xi32>, vector<16xi32>], vector<16xf32>,
        %add3A_673 = arith.constant 16 : i32
        %add3A_674 = vector.broadcast %add3A_673 : i32 to vector<16xi32>
        %add3A_675 = arith.addi %select_n3A_351, %add3A_674 : vector<16xi32>
        %gather3A_676 = tpu.vector_load_idx %arg6[%add3A_605, %add3A_675] : memref<128x128xf32, #tpu.memory_space<vmem>>[vector<16xi32>, vector<16xi32>], vector<16xf32>,
        tpu.vector_store_idx %arg10[%add3A_659, %add3A_605], %gather3A_660 : memref<32x128xf32, #tpu.memory_space<vmem>>[vector<16xi32>, vector<16xi32>], vector<16xf32>,
        %add3A_677 = arith.constant 16 : i32
        %add3A_678 = vector.broadcast %add3A_677 : i32 to vector<16xi32>
        %add3A_679 = arith.addi %select_n3A_376, %add3A_678 : vector<16xi32>
        %gather3A_680 = tpu.vector_load_idx %arg6[%add3A_605, %add3A_679] : memref<128x128xf32, #tpu.memory_space<vmem>>[vector<16xi32>, vector<16xi32>], vector<16xf32>,
        tpu.vector_store_idx %arg10[%add3A_663, %add3A_605], %gather3A_664 : memref<32x128xf32, #tpu.memory_space<vmem>>[vector<16xi32>, vector<16xi32>], vector<16xf32>,
        %add3A_681 = arith.constant 16 : i32
        %add3A_682 = vector.broadcast %add3A_681 : i32 to vector<16xi32>
        %add3A_683 = arith.addi %select_n3A_401, %add3A_682 : vector<16xi32>
        %gather3A_684 = tpu.vector_load_idx %arg6[%add3A_605, %add3A_683] : memref<128x128xf32, #tpu.memory_space<vmem>>[vector<16xi32>, vector<16xi32>], vector<16xf32>,
        tpu.vector_store_idx %arg10[%add3A_667, %add3A_605], %gather3A_668 : memref<32x128xf32, #tpu.memory_space<vmem>>[vector<16xi32>, vector<16xi32>], vector<16xf32>,
        tpu.vector_store_idx %arg10[%add3A_671, %add3A_605], %gather3A_672 : memref<32x128xf32, #tpu.memory_space<vmem>>[vector<16xi32>, vector<16xi32>], vector<16xf32>,
        tpu.vector_store_idx %arg10[%add3A_675, %add3A_605], %gather3A_676 : memref<32x128xf32, #tpu.memory_space<vmem>>[vector<16xi32>, vector<16xi32>], vector<16xf32>,
        tpu.vector_store_idx %arg10[%add3A_679, %add3A_605], %gather3A_680 : memref<32x128xf32, #tpu.memory_space<vmem>>[vector<16xi32>, vector<16xi32>], vector<16xf32>,
        tpu.vector_store_idx %arg10[%add3A_683, %add3A_605], %gather3A_684 : memref<32x128xf32, #tpu.memory_space<vmem>>[vector<16xi32>, vector<16xi32>], vector<16xf32>,
      }
      %scan3A_482 = arith.constant 8 : i32
      %add3A_483 = arith.constant 4 : i32
      %add3A_484 = arith.addi %add3A_467, %add3A_483 : i32
      %lt3A_485 = arith.constant 200 : i32
      %lt3A_486 = arith.cmpi slt, %add3A_484, %lt3A_485 : i32
      %convert_element_type3A_487 = arith.extui %lt3A_486 : i1 to i32
      %cond3A_488 = arith.constant 0 : i32
      %cond3A_489 = arith.cmpi ne, %convert_element_type3A_487, %cond3A_488 : i32
      scf.if %cond3A_489 {
        %add3A_601 = arith.constant 4 : i32
        %add3A_602 = arith.addi %add3A_467, %add3A_601 : i32
        %dma_start3A_603 = arith.constant 0 : i32
        %dma_start3A_604 = tpu.memref_slice %arg5[%add3A_602, %dma_start3A_603] : memref<200x128xi32, #tpu.memory_space<vmem>> -> memref<1x128xi32, #tpu.memory_space<vmem>>
        %dma_start3A_605 = tpu.memref_squeeze %dma_start3A_604 : memref<1x128xi32, #tpu.memory_space<vmem>> -> memref<128xi32, #tpu.memory_space<vmem>>
        %dma_start3A_606 = arith.constant 0 : i32
        %dma_start3A_607 = arith.constant 0 : i32
        %dma_start3A_608 = tpu.memref_slice %arg2[%dma_start3A_606, %dma_start3A_607] : memref<101000x128xf32, #tpu.memory_space<hbm>> -> memref<101000x128xf32, #tpu.memory_space<hbm>>
        tpu.enqueue_indirect_dma source(%dma_start3A_608 : memref<101000x128xf32, #tpu.memory_space<hbm>>) target(%arg6 : memref<128x128xf32, #tpu.memory_space<vmem>>) offsets(%dma_start3A_605 : memref<128xi32, #tpu.memory_space<vmem>>) semaphore(%arg15 : memref<!tpu.dma_semaphore, #tpu.memory_space<semaphore_mem>>)
      } else {
      }
      %dma_start3A_490 = arith.constant 0 : i32
      %dma_start3A_491 = tpu.memref_slice %arg4[%add3A_467, %dma_start3A_490, %mul3A_2] : memref<200x32x4096xf32, #tpu.memory_space<hbm>> -> memref<1x32x128xf32, #tpu.memory_space<hbm>>
      %dma_start3A_492 = tpu.memref_squeeze %dma_start3A_491 : memref<1x32x128xf32, #tpu.memory_space<hbm>> -> memref<32x128xf32, #tpu.memory_space<hbm>>
      %dma_start3A_493 = arith.constant 0 : i32
      %dma_start3A_494 = tpu.memref_slice %arg4[%add3A_467, %dma_start3A_493, %mul3A_2] : memref<200x32x4096xf32, #tpu.memory_space<hbm>> -> memref<1x32x128xf32, #tpu.memory_space<hbm>>
      %dma_start3A_495 = tpu.memref_squeeze %dma_start3A_494 : memref<1x32x128xf32, #tpu.memory_space<hbm>> -> memref<32x128xf32, #tpu.memory_space<hbm>>
      tpu.enqueue_dma source(%arg10 : memref<32x128xf32, #tpu.memory_space<vmem>>) target(%dma_start3A_495 : memref<32x128xf32, #tpu.memory_space<hbm>>) target_semaphore(%arg19 : memref<!tpu.dma_semaphore, #tpu.memory_space<semaphore_mem>>)
      %mul3A_496 = arith.constant 4 : i32
      %mul3A_497 = arith.muli %mul3A_496, %scan3A_463 : i32
      %add3A_498 = arith.constant 1 : i32
      %add3A_499 = arith.addi %mul3A_497, %add3A_498 : i32
      %dma_wait3A_500 = arith.constant 0 : i32
      %dma_wait3A_501 = arith.constant 0 : i32
      %dma_wait3A_502 = tpu.memref_slice %arg5[%dma_wait3A_500, %dma_wait3A_501] : memref<200x128xi32, #tpu.memory_space<vmem>> -> memref<1x128xi32, #tpu.memory_space<vmem>>
      %dma_wait3A_503 = tpu.memref_squeeze %dma_wait3A_502 : memref<1x128xi32, #tpu.memory_space<vmem>> -> memref<128xi32, #tpu.memory_space<vmem>>
      %dma_wait3A_504 = arith.constant 0 : i32
      %dma_wait3A_505 = arith.constant 0 : i32
      %dma_wait3A_506 = tpu.memref_slice %arg2[%dma_wait3A_504, %dma_wait3A_505] : memref<101000x128xf32, #tpu.memory_space<hbm>> -> memref<101000x128xf32, #tpu.memory_space<hbm>>
      tpu.wait_indirect_dma semaphore(%arg16 : memref<!tpu.dma_semaphore, #tpu.memory_space<semaphore_mem>>) src(%dma_wait3A_506 : memref<101000x128xf32, #tpu.memory_space<hbm>>) dst(%arg7 : memref<128x128xf32, #tpu.memory_space<vmem>>)
      %ge3A_507 = arith.constant 4 : i32
      %ge3A_508 = arith.cmpi sge, %add3A_499, %ge3A_507 : i32
      %convert_element_type3A_509 = arith.extui %ge3A_508 : i1 to i32
      %cond3A_510 = arith.constant 0 : i32
      %cond3A_511 = arith.cmpi ne, %convert_element_type3A_509, %cond3A_510 : i32
      scf.if %cond3A_511 {
        %dma_wait3A_601 = arith.constant 0 : i32
        %dma_wait3A_602 = arith.constant 0 : i32
        %dma_wait3A_603 = tpu.memref_slice %arg4[%dma_wait3A_601, %dma_wait3A_602, %mul3A_2] : memref<200x32x4096xf32, #tpu.memory_space<hbm>> -> memref<1x32x128xf32, #tpu.memory_space<hbm>>
        %dma_wait3A_604 = tpu.memref_squeeze %dma_wait3A_603 : memref<1x32x128xf32, #tpu.memory_space<hbm>> -> memref<32x128xf32, #tpu.memory_space<hbm>>
        %dma_wait3A_605 = arith.constant 0 : i32
        %dma_wait3A_606 = tpu.memref_slice %arg4[%dma_wait3A_601, %dma_wait3A_605, %mul3A_2] : memref<200x32x4096xf32, #tpu.memory_space<hbm>> -> memref<1x32x128xf32, #tpu.memory_space<hbm>>
        %dma_wait3A_607 = tpu.memref_squeeze %dma_wait3A_606 : memref<1x32x128xf32, #tpu.memory_space<hbm>> -> memref<32x128xf32, #tpu.memory_space<hbm>>
        tpu.wait_dma2 semaphore(%arg20 : memref<!tpu.dma_semaphore, #tpu.memory_space<semaphore_mem>>) src(%arg11 : memref<32x128xf32, #tpu.memory_space<vmem>>) dst(%dma_wait3A_607 : memref<32x128xf32, #tpu.memory_space<hbm>>)
      } else {
      }
      %scan3A_512 = arith.constant 0 : i32
      %scan3A_513 = arith.constant 0 : i32
      %scan3A_514 = arith.constant 8 : i32
      %scan3A_515 = arith.addi %scan3A_513, %scan3A_514 : i32
      %scan3A_516 = arith.constant 1 : i32
      scf.for %scan3A_601 = %scan3A_513 to %scan3A_515 step %scan3A_516  : i32 {
        %mul3A_602 = arith.constant 16 : i32
        %mul3A_603 = arith.muli %scan3A_601, %mul3A_602 : i32
        %add3A_604 = vector.broadcast %mul3A_603 : i32 to vector<16xi32>
        %add3A_605 = arith.addi %add3A_604, %iota3A : vector<16xi32>
        %gather3A = tpu.vector_load_idx %arg7[%add3A_605, %select_n3A_26] : memref<128x128xf32, #tpu.memory_space<vmem>>[vector<16xi32>, vector<16xi32>], vector<16xf32>,
        %gather3A_606 = tpu.vector_load_idx %arg7[%add3A_605, %select_n3A_51] : memref<128x128xf32, #tpu.memory_space<vmem>>[vector<16xi32>, vector<16xi32>], vector<16xf32>,
        %gather3A_607 = tpu.vector_load_idx %arg7[%add3A_605, %select_n3A_76] : memref<128x128xf32, #tpu.memory_space<vmem>>[vector<16xi32>, vector<16xi32>], vector<16xf32>,
        %gather3A_608 = tpu.vector_load_idx %arg7[%add3A_605, %select_n3A_101] : memref<128x128xf32, #tpu.memory_space<vmem>>[vector<16xi32>, vector<16xi32>], vector<16xf32>,
        %gather3A_609 = tpu.vector_load_idx %arg7[%add3A_605, %select_n3A_126] : memref<128x128xf32, #tpu.memory_space<vmem>>[vector<16xi32>, vector<16xi32>], vector<16xf32>,
        tpu.vector_store_idx %arg11[%select_n3A_26, %add3A_605], %gather3A : memref<32x128xf32, #tpu.memory_space<vmem>>[vector<16xi32>, vector<16xi32>], vector<16xf32>,
        %gather3A_610 = tpu.vector_load_idx %arg7[%add3A_605, %select_n3A_151] : memref<128x128xf32, #tpu.memory_space<vmem>>[vector<16xi32>, vector<16xi32>], vector<16xf32>,
        tpu.vector_store_idx %arg11[%select_n3A_51, %add3A_605], %gather3A_606 : memref<32x128xf32, #tpu.memory_space<vmem>>[vector<16xi32>, vector<16xi32>], vector<16xf32>,
        %gather3A_611 = tpu.vector_load_idx %arg7[%add3A_605, %select_n3A_176] : memref<128x128xf32, #tpu.memory_space<vmem>>[vector<16xi32>, vector<16xi32>], vector<16xf32>,
        tpu.vector_store_idx %arg11[%select_n3A_76, %add3A_605], %gather3A_607 : memref<32x128xf32, #tpu.memory_space<vmem>>[vector<16xi32>, vector<16xi32>], vector<16xf32>,
        %gather3A_612 = tpu.vector_load_idx %arg7[%add3A_605, %select_n3A_201] : memref<128x128xf32, #tpu.memory_space<vmem>>[vector<16xi32>, vector<16xi32>], vector<16xf32>,
        tpu.vector_store_idx %arg11[%select_n3A_101, %add3A_605], %gather3A_608 : memref<32x128xf32, #tpu.memory_space<vmem>>[vector<16xi32>, vector<16xi32>], vector<16xf32>,
        %gather3A_613 = tpu.vector_load_idx %arg7[%add3A_605, %select_n3A_226] : memref<128x128xf32, #tpu.memory_space<vmem>>[vector<16xi32>, vector<16xi32>], vector<16xf32>,
        tpu.vector_store_idx %arg11[%select_n3A_126, %add3A_605], %gather3A_609 : memref<32x128xf32, #tpu.memory_space<vmem>>[vector<16xi32>, vector<16xi32>], vector<16xf32>,
        %gather3A_614 = tpu.vector_load_idx %arg7[%add3A_605, %select_n3A_251] : memref<128x128xf32, #tpu.memory_space<vmem>>[vector<16xi32>, vector<16xi32>], vector<16xf32>,
        tpu.vector_store_idx %arg11[%select_n3A_151, %add3A_605], %gather3A_610 : memref<32x128xf32, #tpu.memory_space<vmem>>[vector<16xi32>, vector<16xi32>], vector<16xf32>,
        %gather3A_615 = tpu.vector_load_idx %arg7[%add3A_605, %select_n3A_276] : memref<128x128xf32, #tpu.memory_space<vmem>>[vector<16xi32>, vector<16xi32>], vector<16xf32>,
        tpu.vector_store_idx %arg11[%select_n3A_176, %add3A_605], %gather3A_611 : memref<32x128xf32, #tpu.memory_space<vmem>>[vector<16xi32>, vector<16xi32>], vector<16xf32>,
        %gather3A_616 = tpu.vector_load_idx %arg7[%add3A_605, %select_n3A_301] : memref<128x128xf32, #tpu.memory_space<vmem>>[vector<16xi32>, vector<16xi32>], vector<16xf32>,
        tpu.vector_store_idx %arg11[%select_n3A_201, %add3A_605], %gather3A_612 : memref<32x128xf32, #tpu.memory_space<vmem>>[vector<16xi32>, vector<16xi32>], vector<16xf32>,
        %gather3A_617 = tpu.vector_load_idx %arg7[%add3A_605, %select_n3A_326] : memref<128x128xf32, #tpu.memory_space<vmem>>[vector<16xi32>, vector<16xi32>], vector<16xf32>,
        tpu.vector_store_idx %arg11[%select_n3A_226, %add3A_605], %gather3A_613 : memref<32x128xf32, #tpu.memory_space<vmem>>[vector<16xi32>, vector<16xi32>], vector<16xf32>,
        %gather3A_618 = tpu.vector_load_idx %arg7[%add3A_605, %select_n3A_351] : memref<128x128xf32, #tpu.memory_space<vmem>>[vector<16xi32>, vector<16xi32>], vector<16xf32>,
        tpu.vector_store_idx %arg11[%select_n3A_251, %add3A_605], %gather3A_614 : memref<32x128xf32, #tpu.memory_space<vmem>>[vector<16xi32>, vector<16xi32>], vector<16xf32>,
        %gather3A_619 = tpu.vector_load_idx %arg7[%add3A_605, %select_n3A_376] : memref<128x128xf32, #tpu.memory_space<vmem>>[vector<16xi32>, vector<16xi32>], vector<16xf32>,
        tpu.vector_store_idx %arg11[%select_n3A_276, %add3A_605], %gather3A_615 : memref<32x128xf32, #tpu.memory_space<vmem>>[vector<16xi32>, vector<16xi32>], vector<16xf32>,
        %gather3A_620 = tpu.vector_load_idx %arg7[%add3A_605, %select_n3A_401] : memref<128x128xf32, #tpu.memory_space<vmem>>[vector<16xi32>, vector<16xi32>], vector<16xf32>,
        tpu.vector_store_idx %arg11[%select_n3A_301, %add3A_605], %gather3A_616 : memref<32x128xf32, #tpu.memory_space<vmem>>[vector<16xi32>, vector<16xi32>], vector<16xf32>,
        tpu.vector_store_idx %arg11[%select_n3A_326, %add3A_605], %gather3A_617 : memref<32x128xf32, #tpu.memory_space<vmem>>[vector<16xi32>, vector<16xi32>], vector<16xf32>,
        tpu.vector_store_idx %arg11[%select_n3A_351, %add3A_605], %gather3A_618 : memref<32x128xf32, #tpu.memory_space<vmem>>[vector<16xi32>, vector<16xi32>], vector<16xf32>,
        tpu.vector_store_idx %arg11[%select_n3A_376, %add3A_605], %gather3A_619 : memref<32x128xf32, #tpu.memory_space<vmem>>[vector<16xi32>, vector<16xi32>], vector<16xf32>,
        tpu.vector_store_idx %arg11[%select_n3A_401, %add3A_605], %gather3A_620 : memref<32x128xf32, #tpu.memory_space<vmem>>[vector<16xi32>, vector<16xi32>], vector<16xf32>,
        %add3A_621 = arith.constant 16 : i32
        %add3A_622 = vector.broadcast %add3A_621 : i32 to vector<16xi32>
        %add3A_623 = arith.addi %select_n3A_26, %add3A_622 : vector<16xi32>
        %gather3A_624 = tpu.vector_load_idx %arg7[%add3A_605, %add3A_623] : memref<128x128xf32, #tpu.memory_space<vmem>>[vector<16xi32>, vector<16xi32>], vector<16xf32>,
        %add3A_625 = arith.constant 16 : i32
        %add3A_626 = vector.broadcast %add3A_625 : i32 to vector<16xi32>
        %add3A_627 = arith.addi %select_n3A_51, %add3A_626 : vector<16xi32>
        %gather3A_628 = tpu.vector_load_idx %arg7[%add3A_605, %add3A_627] : memref<128x128xf32, #tpu.memory_space<vmem>>[vector<16xi32>, vector<16xi32>], vector<16xf32>,
        %add3A_629 = arith.constant 16 : i32
        %add3A_630 = vector.broadcast %add3A_629 : i32 to vector<16xi32>
        %add3A_631 = arith.addi %select_n3A_76, %add3A_630 : vector<16xi32>
        %gather3A_632 = tpu.vector_load_idx %arg7[%add3A_605, %add3A_631] : memref<128x128xf32, #tpu.memory_space<vmem>>[vector<16xi32>, vector<16xi32>], vector<16xf32>,
        %add3A_633 = arith.constant 16 : i32
        %add3A_634 = vector.broadcast %add3A_633 : i32 to vector<16xi32>
        %add3A_635 = arith.addi %select_n3A_101, %add3A_634 : vector<16xi32>
        %gather3A_636 = tpu.vector_load_idx %arg7[%add3A_605, %add3A_635] : memref<128x128xf32, #tpu.memory_space<vmem>>[vector<16xi32>, vector<16xi32>], vector<16xf32>,
        %add3A_637 = arith.constant 16 : i32
        %add3A_638 = vector.broadcast %add3A_637 : i32 to vector<16xi32>
        %add3A_639 = arith.addi %select_n3A_126, %add3A_638 : vector<16xi32>
        %gather3A_640 = tpu.vector_load_idx %arg7[%add3A_605, %add3A_639] : memref<128x128xf32, #tpu.memory_space<vmem>>[vector<16xi32>, vector<16xi32>], vector<16xf32>,
        tpu.vector_store_idx %arg11[%add3A_623, %add3A_605], %gather3A_624 : memref<32x128xf32, #tpu.memory_space<vmem>>[vector<16xi32>, vector<16xi32>], vector<16xf32>,
        %add3A_641 = arith.constant 16 : i32
        %add3A_642 = vector.broadcast %add3A_641 : i32 to vector<16xi32>
        %add3A_643 = arith.addi %select_n3A_151, %add3A_642 : vector<16xi32>
        %gather3A_644 = tpu.vector_load_idx %arg7[%add3A_605, %add3A_643] : memref<128x128xf32, #tpu.memory_space<vmem>>[vector<16xi32>, vector<16xi32>], vector<16xf32>,
        tpu.vector_store_idx %arg11[%add3A_627, %add3A_605], %gather3A_628 : memref<32x128xf32, #tpu.memory_space<vmem>>[vector<16xi32>, vector<16xi32>], vector<16xf32>,
        %add3A_645 = arith.constant 16 : i32
        %add3A_646 = vector.broadcast %add3A_645 : i32 to vector<16xi32>
        %add3A_647 = arith.addi %select_n3A_176, %add3A_646 : vector<16xi32>
        %gather3A_648 = tpu.vector_load_idx %arg7[%add3A_605, %add3A_647] : memref<128x128xf32, #tpu.memory_space<vmem>>[vector<16xi32>, vector<16xi32>], vector<16xf32>,
        tpu.vector_store_idx %arg11[%add3A_631, %add3A_605], %gather3A_632 : memref<32x128xf32, #tpu.memory_space<vmem>>[vector<16xi32>, vector<16xi32>], vector<16xf32>,
        %add3A_649 = arith.constant 16 : i32
        %add3A_650 = vector.broadcast %add3A_649 : i32 to vector<16xi32>
        %add3A_651 = arith.addi %select_n3A_201, %add3A_650 : vector<16xi32>
        %gather3A_652 = tpu.vector_load_idx %arg7[%add3A_605, %add3A_651] : memref<128x128xf32, #tpu.memory_space<vmem>>[vector<16xi32>, vector<16xi32>], vector<16xf32>,
        tpu.vector_store_idx %arg11[%add3A_635, %add3A_605], %gather3A_636 : memref<32x128xf32, #tpu.memory_space<vmem>>[vector<16xi32>, vector<16xi32>], vector<16xf32>,
        %add3A_653 = arith.constant 16 : i32
        %add3A_654 = vector.broadcast %add3A_653 : i32 to vector<16xi32>
        %add3A_655 = arith.addi %select_n3A_226, %add3A_654 : vector<16xi32>
        %gather3A_656 = tpu.vector_load_idx %arg7[%add3A_605, %add3A_655] : memref<128x128xf32, #tpu.memory_space<vmem>>[vector<16xi32>, vector<16xi32>], vector<16xf32>,
        tpu.vector_store_idx %arg11[%add3A_639, %add3A_605], %gather3A_640 : memref<32x128xf32, #tpu.memory_space<vmem>>[vector<16xi32>, vector<16xi32>], vector<16xf32>,
        %add3A_657 = arith.constant 16 : i32
        %add3A_658 = vector.broadcast %add3A_657 : i32 to vector<16xi32>
        %add3A_659 = arith.addi %select_n3A_251, %add3A_658 : vector<16xi32>
        %gather3A_660 = tpu.vector_load_idx %arg7[%add3A_605, %add3A_659] : memref<128x128xf32, #tpu.memory_space<vmem>>[vector<16xi32>, vector<16xi32>], vector<16xf32>,
        tpu.vector_store_idx %arg11[%add3A_643, %add3A_605], %gather3A_644 : memref<32x128xf32, #tpu.memory_space<vmem>>[vector<16xi32>, vector<16xi32>], vector<16xf32>,
        %add3A_661 = arith.constant 16 : i32
        %add3A_662 = vector.broadcast %add3A_661 : i32 to vector<16xi32>
        %add3A_663 = arith.addi %select_n3A_276, %add3A_662 : vector<16xi32>
        %gather3A_664 = tpu.vector_load_idx %arg7[%add3A_605, %add3A_663] : memref<128x128xf32, #tpu.memory_space<vmem>>[vector<16xi32>, vector<16xi32>], vector<16xf32>,
        tpu.vector_store_idx %arg11[%add3A_647, %add3A_605], %gather3A_648 : memref<32x128xf32, #tpu.memory_space<vmem>>[vector<16xi32>, vector<16xi32>], vector<16xf32>,
        %add3A_665 = arith.constant 16 : i32
        %add3A_666 = vector.broadcast %add3A_665 : i32 to vector<16xi32>
        %add3A_667 = arith.addi %select_n3A_301, %add3A_666 : vector<16xi32>
        %gather3A_668 = tpu.vector_load_idx %arg7[%add3A_605, %add3A_667] : memref<128x128xf32, #tpu.memory_space<vmem>>[vector<16xi32>, vector<16xi32>], vector<16xf32>,
        tpu.vector_store_idx %arg11[%add3A_651, %add3A_605], %gather3A_652 : memref<32x128xf32, #tpu.memory_space<vmem>>[vector<16xi32>, vector<16xi32>], vector<16xf32>,
        %add3A_669 = arith.constant 16 : i32
        %add3A_670 = vector.broadcast %add3A_669 : i32 to vector<16xi32>
        %add3A_671 = arith.addi %select_n3A_326, %add3A_670 : vector<16xi32>
        %gather3A_672 = tpu.vector_load_idx %arg7[%add3A_605, %add3A_671] : memref<128x128xf32, #tpu.memory_space<vmem>>[vector<16xi32>, vector<16xi32>], vector<16xf32>,
        tpu.vector_store_idx %arg11[%add3A_655, %add3A_605], %gather3A_656 : memref<32x128xf32, #tpu.memory_space<vmem>>[vector<16xi32>, vector<16xi32>], vector<16xf32>,
        %add3A_673 = arith.constant 16 : i32
        %add3A_674 = vector.broadcast %add3A_673 : i32 to vector<16xi32>
        %add3A_675 = arith.addi %select_n3A_351, %add3A_674 : vector<16xi32>
        %gather3A_676 = tpu.vector_load_idx %arg7[%add3A_605, %add3A_675] : memref<128x128xf32, #tpu.memory_space<vmem>>[vector<16xi32>, vector<16xi32>], vector<16xf32>,
        tpu.vector_store_idx %arg11[%add3A_659, %add3A_605], %gather3A_660 : memref<32x128xf32, #tpu.memory_space<vmem>>[vector<16xi32>, vector<16xi32>], vector<16xf32>,
        %add3A_677 = arith.constant 16 : i32
        %add3A_678 = vector.broadcast %add3A_677 : i32 to vector<16xi32>
        %add3A_679 = arith.addi %select_n3A_376, %add3A_678 : vector<16xi32>
        %gather3A_680 = tpu.vector_load_idx %arg7[%add3A_605, %add3A_679] : memref<128x128xf32, #tpu.memory_space<vmem>>[vector<16xi32>, vector<16xi32>], vector<16xf32>,
        tpu.vector_store_idx %arg11[%add3A_663, %add3A_605], %gather3A_664 : memref<32x128xf32, #tpu.memory_space<vmem>>[vector<16xi32>, vector<16xi32>], vector<16xf32>,
        %add3A_681 = arith.constant 16 : i32
        %add3A_682 = vector.broadcast %add3A_681 : i32 to vector<16xi32>
        %add3A_683 = arith.addi %select_n3A_401, %add3A_682 : vector<16xi32>
        %gather3A_684 = tpu.vector_load_idx %arg7[%add3A_605, %add3A_683] : memref<128x128xf32, #tpu.memory_space<vmem>>[vector<16xi32>, vector<16xi32>], vector<16xf32>,
        tpu.vector_store_idx %arg11[%add3A_667, %add3A_605], %gather3A_668 : memref<32x128xf32, #tpu.memory_space<vmem>>[vector<16xi32>, vector<16xi32>], vector<16xf32>,
        tpu.vector_store_idx %arg11[%add3A_671, %add3A_605], %gather3A_672 : memref<32x128xf32, #tpu.memory_space<vmem>>[vector<16xi32>, vector<16xi32>], vector<16xf32>,
        tpu.vector_store_idx %arg11[%add3A_675, %add3A_605], %gather3A_676 : memref<32x128xf32, #tpu.memory_space<vmem>>[vector<16xi32>, vector<16xi32>], vector<16xf32>,
        tpu.vector_store_idx %arg11[%add3A_679, %add3A_605], %gather3A_680 : memref<32x128xf32, #tpu.memory_space<vmem>>[vector<16xi32>, vector<16xi32>], vector<16xf32>,
        tpu.vector_store_idx %arg11[%add3A_683, %add3A_605], %gather3A_684 : memref<32x128xf32, #tpu.memory_space<vmem>>[vector<16xi32>, vector<16xi32>], vector<16xf32>,
      }
      %scan3A_517 = arith.constant 8 : i32
      %add3A_518 = arith.constant 4 : i32
      %add3A_519 = arith.addi %add3A_499, %add3A_518 : i32
      %lt3A_520 = arith.constant 200 : i32
      %lt3A_521 = arith.cmpi slt, %add3A_519, %lt3A_520 : i32
      %convert_element_type3A_522 = arith.extui %lt3A_521 : i1 to i32
      %cond3A_523 = arith.constant 0 : i32
      %cond3A_524 = arith.cmpi ne, %convert_element_type3A_522, %cond3A_523 : i32
      scf.if %cond3A_524 {
        %add3A_601 = arith.constant 4 : i32
        %add3A_602 = arith.addi %add3A_499, %add3A_601 : i32
        %dma_start3A_603 = arith.constant 0 : i32
        %dma_start3A_604 = tpu.memref_slice %arg5[%add3A_602, %dma_start3A_603] : memref<200x128xi32, #tpu.memory_space<vmem>> -> memref<1x128xi32, #tpu.memory_space<vmem>>
        %dma_start3A_605 = tpu.memref_squeeze %dma_start3A_604 : memref<1x128xi32, #tpu.memory_space<vmem>> -> memref<128xi32, #tpu.memory_space<vmem>>
        %dma_start3A_606 = arith.constant 0 : i32
        %dma_start3A_607 = arith.constant 0 : i32
        %dma_start3A_608 = tpu.memref_slice %arg2[%dma_start3A_606, %dma_start3A_607] : memref<101000x128xf32, #tpu.memory_space<hbm>> -> memref<101000x128xf32, #tpu.memory_space<hbm>>
        tpu.enqueue_indirect_dma source(%dma_start3A_608 : memref<101000x128xf32, #tpu.memory_space<hbm>>) target(%arg7 : memref<128x128xf32, #tpu.memory_space<vmem>>) offsets(%dma_start3A_605 : memref<128xi32, #tpu.memory_space<vmem>>) semaphore(%arg16 : memref<!tpu.dma_semaphore, #tpu.memory_space<semaphore_mem>>)
      } else {
      }
      %dma_start3A_525 = arith.constant 0 : i32
      %dma_start3A_526 = tpu.memref_slice %arg4[%add3A_499, %dma_start3A_525, %mul3A_2] : memref<200x32x4096xf32, #tpu.memory_space<hbm>> -> memref<1x32x128xf32, #tpu.memory_space<hbm>>
      %dma_start3A_527 = tpu.memref_squeeze %dma_start3A_526 : memref<1x32x128xf32, #tpu.memory_space<hbm>> -> memref<32x128xf32, #tpu.memory_space<hbm>>
      %dma_start3A_528 = arith.constant 0 : i32
      %dma_start3A_529 = tpu.memref_slice %arg4[%add3A_499, %dma_start3A_528, %mul3A_2] : memref<200x32x4096xf32, #tpu.memory_space<hbm>> -> memref<1x32x128xf32, #tpu.memory_space<hbm>>
      %dma_start3A_530 = tpu.memref_squeeze %dma_start3A_529 : memref<1x32x128xf32, #tpu.memory_space<hbm>> -> memref<32x128xf32, #tpu.memory_space<hbm>>
      tpu.enqueue_dma source(%arg11 : memref<32x128xf32, #tpu.memory_space<vmem>>) target(%dma_start3A_530 : memref<32x128xf32, #tpu.memory_space<hbm>>) target_semaphore(%arg20 : memref<!tpu.dma_semaphore, #tpu.memory_space<semaphore_mem>>)
      %mul3A_531 = arith.constant 4 : i32
      %mul3A_532 = arith.muli %mul3A_531, %scan3A_463 : i32
      %add3A_533 = arith.constant 2 : i32
      %add3A_534 = arith.addi %mul3A_532, %add3A_533 : i32
      %dma_wait3A_535 = arith.constant 0 : i32
      %dma_wait3A_536 = arith.constant 0 : i32
      %dma_wait3A_537 = tpu.memref_slice %arg5[%dma_wait3A_535, %dma_wait3A_536] : memref<200x128xi32, #tpu.memory_space<vmem>> -> memref<1x128xi32, #tpu.memory_space<vmem>>
      %dma_wait3A_538 = tpu.memref_squeeze %dma_wait3A_537 : memref<1x128xi32, #tpu.memory_space<vmem>> -> memref<128xi32, #tpu.memory_space<vmem>>
      %dma_wait3A_539 = arith.constant 0 : i32
      %dma_wait3A_540 = arith.constant 0 : i32
      %dma_wait3A_541 = tpu.memref_slice %arg2[%dma_wait3A_539, %dma_wait3A_540] : memref<101000x128xf32, #tpu.memory_space<hbm>> -> memref<101000x128xf32, #tpu.memory_space<hbm>>
      tpu.wait_indirect_dma semaphore(%arg17 : memref<!tpu.dma_semaphore, #tpu.memory_space<semaphore_mem>>) src(%dma_wait3A_541 : memref<101000x128xf32, #tpu.memory_space<hbm>>) dst(%arg8 : memref<128x128xf32, #tpu.memory_space<vmem>>)
      %ge3A_542 = arith.constant 4 : i32
      %ge3A_543 = arith.cmpi sge, %add3A_534, %ge3A_542 : i32
      %convert_element_type3A_544 = arith.extui %ge3A_543 : i1 to i32
      %cond3A_545 = arith.constant 0 : i32
      %cond3A_546 = arith.cmpi ne, %convert_element_type3A_544, %cond3A_545 : i32
      scf.if %cond3A_546 {
        %dma_wait3A_601 = arith.constant 0 : i32
        %dma_wait3A_602 = arith.constant 0 : i32
        %dma_wait3A_603 = tpu.memref_slice %arg4[%dma_wait3A_601, %dma_wait3A_602, %mul3A_2] : memref<200x32x4096xf32, #tpu.memory_space<hbm>> -> memref<1x32x128xf32, #tpu.memory_space<hbm>>
        %dma_wait3A_604 = tpu.memref_squeeze %dma_wait3A_603 : memref<1x32x128xf32, #tpu.memory_space<hbm>> -> memref<32x128xf32, #tpu.memory_space<hbm>>
        %dma_wait3A_605 = arith.constant 0 : i32
        %dma_wait3A_606 = tpu.memref_slice %arg4[%dma_wait3A_601, %dma_wait3A_605, %mul3A_2] : memref<200x32x4096xf32, #tpu.memory_space<hbm>> -> memref<1x32x128xf32, #tpu.memory_space<hbm>>
        %dma_wait3A_607 = tpu.memref_squeeze %dma_wait3A_606 : memref<1x32x128xf32, #tpu.memory_space<hbm>> -> memref<32x128xf32, #tpu.memory_space<hbm>>
        tpu.wait_dma2 semaphore(%arg21 : memref<!tpu.dma_semaphore, #tpu.memory_space<semaphore_mem>>) src(%arg12 : memref<32x128xf32, #tpu.memory_space<vmem>>) dst(%dma_wait3A_607 : memref<32x128xf32, #tpu.memory_space<hbm>>)
      } else {
      }
      %scan3A_547 = arith.constant 0 : i32
      %scan3A_548 = arith.constant 0 : i32
      %scan3A_549 = arith.constant 8 : i32
      %scan3A_550 = arith.addi %scan3A_548, %scan3A_549 : i32
      %scan3A_551 = arith.constant 1 : i32
      scf.for %scan3A_601 = %scan3A_548 to %scan3A_550 step %scan3A_551  : i32 {
        %mul3A_602 = arith.constant 16 : i32
        %mul3A_603 = arith.muli %scan3A_601, %mul3A_602 : i32
        %add3A_604 = vector.broadcast %mul3A_603 : i32 to vector<16xi32>
        %add3A_605 = arith.addi %add3A_604, %iota3A : vector<16xi32>
        %gather3A = tpu.vector_load_idx %arg8[%add3A_605, %select_n3A_26] : memref<128x128xf32, #tpu.memory_space<vmem>>[vector<16xi32>, vector<16xi32>], vector<16xf32>,
        %gather3A_606 = tpu.vector_load_idx %arg8[%add3A_605, %select_n3A_51] : memref<128x128xf32, #tpu.memory_space<vmem>>[vector<16xi32>, vector<16xi32>], vector<16xf32>,
        %gather3A_607 = tpu.vector_load_idx %arg8[%add3A_605, %select_n3A_76] : memref<128x128xf32, #tpu.memory_space<vmem>>[vector<16xi32>, vector<16xi32>], vector<16xf32>,
        %gather3A_608 = tpu.vector_load_idx %arg8[%add3A_605, %select_n3A_101] : memref<128x128xf32, #tpu.memory_space<vmem>>[vector<16xi32>, vector<16xi32>], vector<16xf32>,
        %gather3A_609 = tpu.vector_load_idx %arg8[%add3A_605, %select_n3A_126] : memref<128x128xf32, #tpu.memory_space<vmem>>[vector<16xi32>, vector<16xi32>], vector<16xf32>,
        tpu.vector_store_idx %arg12[%select_n3A_26, %add3A_605], %gather3A : memref<32x128xf32, #tpu.memory_space<vmem>>[vector<16xi32>, vector<16xi32>], vector<16xf32>,
        %gather3A_610 = tpu.vector_load_idx %arg8[%add3A_605, %select_n3A_151] : memref<128x128xf32, #tpu.memory_space<vmem>>[vector<16xi32>, vector<16xi32>], vector<16xf32>,
        tpu.vector_store_idx %arg12[%select_n3A_51, %add3A_605], %gather3A_606 : memref<32x128xf32, #tpu.memory_space<vmem>>[vector<16xi32>, vector<16xi32>], vector<16xf32>,
        %gather3A_611 = tpu.vector_load_idx %arg8[%add3A_605, %select_n3A_176] : memref<128x128xf32, #tpu.memory_space<vmem>>[vector<16xi32>, vector<16xi32>], vector<16xf32>,
        tpu.vector_store_idx %arg12[%select_n3A_76, %add3A_605], %gather3A_607 : memref<32x128xf32, #tpu.memory_space<vmem>>[vector<16xi32>, vector<16xi32>], vector<16xf32>,
        %gather3A_612 = tpu.vector_load_idx %arg8[%add3A_605, %select_n3A_201] : memref<128x128xf32, #tpu.memory_space<vmem>>[vector<16xi32>, vector<16xi32>], vector<16xf32>,
        tpu.vector_store_idx %arg12[%select_n3A_101, %add3A_605], %gather3A_608 : memref<32x128xf32, #tpu.memory_space<vmem>>[vector<16xi32>, vector<16xi32>], vector<16xf32>,
        %gather3A_613 = tpu.vector_load_idx %arg8[%add3A_605, %select_n3A_226] : memref<128x128xf32, #tpu.memory_space<vmem>>[vector<16xi32>, vector<16xi32>], vector<16xf32>,
        tpu.vector_store_idx %arg12[%select_n3A_126, %add3A_605], %gather3A_609 : memref<32x128xf32, #tpu.memory_space<vmem>>[vector<16xi32>, vector<16xi32>], vector<16xf32>,
        %gather3A_614 = tpu.vector_load_idx %arg8[%add3A_605, %select_n3A_251] : memref<128x128xf32, #tpu.memory_space<vmem>>[vector<16xi32>, vector<16xi32>], vector<16xf32>,
        tpu.vector_store_idx %arg12[%select_n3A_151, %add3A_605], %gather3A_610 : memref<32x128xf32, #tpu.memory_space<vmem>>[vector<16xi32>, vector<16xi32>], vector<16xf32>,
        %gather3A_615 = tpu.vector_load_idx %arg8[%add3A_605, %select_n3A_276] : memref<128x128xf32, #tpu.memory_space<vmem>>[vector<16xi32>, vector<16xi32>], vector<16xf32>,
        tpu.vector_store_idx %arg12[%select_n3A_176, %add3A_605], %gather3A_611 : memref<32x128xf32, #tpu.memory_space<vmem>>[vector<16xi32>, vector<16xi32>], vector<16xf32>,
        %gather3A_616 = tpu.vector_load_idx %arg8[%add3A_605, %select_n3A_301] : memref<128x128xf32, #tpu.memory_space<vmem>>[vector<16xi32>, vector<16xi32>], vector<16xf32>,
        tpu.vector_store_idx %arg12[%select_n3A_201, %add3A_605], %gather3A_612 : memref<32x128xf32, #tpu.memory_space<vmem>>[vector<16xi32>, vector<16xi32>], vector<16xf32>,
        %gather3A_617 = tpu.vector_load_idx %arg8[%add3A_605, %select_n3A_326] : memref<128x128xf32, #tpu.memory_space<vmem>>[vector<16xi32>, vector<16xi32>], vector<16xf32>,
        tpu.vector_store_idx %arg12[%select_n3A_226, %add3A_605], %gather3A_613 : memref<32x128xf32, #tpu.memory_space<vmem>>[vector<16xi32>, vector<16xi32>], vector<16xf32>,
        %gather3A_618 = tpu.vector_load_idx %arg8[%add3A_605, %select_n3A_351] : memref<128x128xf32, #tpu.memory_space<vmem>>[vector<16xi32>, vector<16xi32>], vector<16xf32>,
        tpu.vector_store_idx %arg12[%select_n3A_251, %add3A_605], %gather3A_614 : memref<32x128xf32, #tpu.memory_space<vmem>>[vector<16xi32>, vector<16xi32>], vector<16xf32>,
        %gather3A_619 = tpu.vector_load_idx %arg8[%add3A_605, %select_n3A_376] : memref<128x128xf32, #tpu.memory_space<vmem>>[vector<16xi32>, vector<16xi32>], vector<16xf32>,
        tpu.vector_store_idx %arg12[%select_n3A_276, %add3A_605], %gather3A_615 : memref<32x128xf32, #tpu.memory_space<vmem>>[vector<16xi32>, vector<16xi32>], vector<16xf32>,
        %gather3A_620 = tpu.vector_load_idx %arg8[%add3A_605, %select_n3A_401] : memref<128x128xf32, #tpu.memory_space<vmem>>[vector<16xi32>, vector<16xi32>], vector<16xf32>,
        tpu.vector_store_idx %arg12[%select_n3A_301, %add3A_605], %gather3A_616 : memref<32x128xf32, #tpu.memory_space<vmem>>[vector<16xi32>, vector<16xi32>], vector<16xf32>,
        tpu.vector_store_idx %arg12[%select_n3A_326, %add3A_605], %gather3A_617 : memref<32x128xf32, #tpu.memory_space<vmem>>[vector<16xi32>, vector<16xi32>], vector<16xf32>,
        tpu.vector_store_idx %arg12[%select_n3A_351, %add3A_605], %gather3A_618 : memref<32x128xf32, #tpu.memory_space<vmem>>[vector<16xi32>, vector<16xi32>], vector<16xf32>,
        tpu.vector_store_idx %arg12[%select_n3A_376, %add3A_605], %gather3A_619 : memref<32x128xf32, #tpu.memory_space<vmem>>[vector<16xi32>, vector<16xi32>], vector<16xf32>,
        tpu.vector_store_idx %arg12[%select_n3A_401, %add3A_605], %gather3A_620 : memref<32x128xf32, #tpu.memory_space<vmem>>[vector<16xi32>, vector<16xi32>], vector<16xf32>,
        %add3A_621 = arith.constant 16 : i32
        %add3A_622 = vector.broadcast %add3A_621 : i32 to vector<16xi32>
        %add3A_623 = arith.addi %select_n3A_26, %add3A_622 : vector<16xi32>
        %gather3A_624 = tpu.vector_load_idx %arg8[%add3A_605, %add3A_623] : memref<128x128xf32, #tpu.memory_space<vmem>>[vector<16xi32>, vector<16xi32>], vector<16xf32>,
        %add3A_625 = arith.constant 16 : i32
        %add3A_626 = vector.broadcast %add3A_625 : i32 to vector<16xi32>
        %add3A_627 = arith.addi %select_n3A_51, %add3A_626 : vector<16xi32>
        %gather3A_628 = tpu.vector_load_idx %arg8[%add3A_605, %add3A_627] : memref<128x128xf32, #tpu.memory_space<vmem>>[vector<16xi32>, vector<16xi32>], vector<16xf32>,
        %add3A_629 = arith.constant 16 : i32
        %add3A_630 = vector.broadcast %add3A_629 : i32 to vector<16xi32>
        %add3A_631 = arith.addi %select_n3A_76, %add3A_630 : vector<16xi32>
        %gather3A_632 = tpu.vector_load_idx %arg8[%add3A_605, %add3A_631] : memref<128x128xf32, #tpu.memory_space<vmem>>[vector<16xi32>, vector<16xi32>], vector<16xf32>,
        %add3A_633 = arith.constant 16 : i32
        %add3A_634 = vector.broadcast %add3A_633 : i32 to vector<16xi32>
        %add3A_635 = arith.addi %select_n3A_101, %add3A_634 : vector<16xi32>
        %gather3A_636 = tpu.vector_load_idx %arg8[%add3A_605, %add3A_635] : memref<128x128xf32, #tpu.memory_space<vmem>>[vector<16xi32>, vector<16xi32>], vector<16xf32>,
        %add3A_637 = arith.constant 16 : i32
        %add3A_638 = vector.broadcast %add3A_637 : i32 to vector<16xi32>
        %add3A_639 = arith.addi %select_n3A_126, %add3A_638 : vector<16xi32>
        %gather3A_640 = tpu.vector_load_idx %arg8[%add3A_605, %add3A_639] : memref<128x128xf32, #tpu.memory_space<vmem>>[vector<16xi32>, vector<16xi32>], vector<16xf32>,
        tpu.vector_store_idx %arg12[%add3A_623, %add3A_605], %gather3A_624 : memref<32x128xf32, #tpu.memory_space<vmem>>[vector<16xi32>, vector<16xi32>], vector<16xf32>,
        %add3A_641 = arith.constant 16 : i32
        %add3A_642 = vector.broadcast %add3A_641 : i32 to vector<16xi32>
        %add3A_643 = arith.addi %select_n3A_151, %add3A_642 : vector<16xi32>
        %gather3A_644 = tpu.vector_load_idx %arg8[%add3A_605, %add3A_643] : memref<128x128xf32, #tpu.memory_space<vmem>>[vector<16xi32>, vector<16xi32>], vector<16xf32>,
        tpu.vector_store_idx %arg12[%add3A_627, %add3A_605], %gather3A_628 : memref<32x128xf32, #tpu.memory_space<vmem>>[vector<16xi32>, vector<16xi32>], vector<16xf32>,
        %add3A_645 = arith.constant 16 : i32
        %add3A_646 = vector.broadcast %add3A_645 : i32 to vector<16xi32>
        %add3A_647 = arith.addi %select_n3A_176, %add3A_646 : vector<16xi32>
        %gather3A_648 = tpu.vector_load_idx %arg8[%add3A_605, %add3A_647] : memref<128x128xf32, #tpu.memory_space<vmem>>[vector<16xi32>, vector<16xi32>], vector<16xf32>,
        tpu.vector_store_idx %arg12[%add3A_631, %add3A_605], %gather3A_632 : memref<32x128xf32, #tpu.memory_space<vmem>>[vector<16xi32>, vector<16xi32>], vector<16xf32>,
        %add3A_649 = arith.constant 16 : i32
        %add3A_650 = vector.broadcast %add3A_649 : i32 to vector<16xi32>
        %add3A_651 = arith.addi %select_n3A_201, %add3A_650 : vector<16xi32>
        %gather3A_652 = tpu.vector_load_idx %arg8[%add3A_605, %add3A_651] : memref<128x128xf32, #tpu.memory_space<vmem>>[vector<16xi32>, vector<16xi32>], vector<16xf32>,
        tpu.vector_store_idx %arg12[%add3A_635, %add3A_605], %gather3A_636 : memref<32x128xf32, #tpu.memory_space<vmem>>[vector<16xi32>, vector<16xi32>], vector<16xf32>,
        %add3A_653 = arith.constant 16 : i32
        %add3A_654 = vector.broadcast %add3A_653 : i32 to vector<16xi32>
        %add3A_655 = arith.addi %select_n3A_226, %add3A_654 : vector<16xi32>
        %gather3A_656 = tpu.vector_load_idx %arg8[%add3A_605, %add3A_655] : memref<128x128xf32, #tpu.memory_space<vmem>>[vector<16xi32>, vector<16xi32>], vector<16xf32>,
        tpu.vector_store_idx %arg12[%add3A_639, %add3A_605], %gather3A_640 : memref<32x128xf32, #tpu.memory_space<vmem>>[vector<16xi32>, vector<16xi32>], vector<16xf32>,
        %add3A_657 = arith.constant 16 : i32
        %add3A_658 = vector.broadcast %add3A_657 : i32 to vector<16xi32>
        %add3A_659 = arith.addi %select_n3A_251, %add3A_658 : vector<16xi32>
        %gather3A_660 = tpu.vector_load_idx %arg8[%add3A_605, %add3A_659] : memref<128x128xf32, #tpu.memory_space<vmem>>[vector<16xi32>, vector<16xi32>], vector<16xf32>,
        tpu.vector_store_idx %arg12[%add3A_643, %add3A_605], %gather3A_644 : memref<32x128xf32, #tpu.memory_space<vmem>>[vector<16xi32>, vector<16xi32>], vector<16xf32>,
        %add3A_661 = arith.constant 16 : i32
        %add3A_662 = vector.broadcast %add3A_661 : i32 to vector<16xi32>
        %add3A_663 = arith.addi %select_n3A_276, %add3A_662 : vector<16xi32>
        %gather3A_664 = tpu.vector_load_idx %arg8[%add3A_605, %add3A_663] : memref<128x128xf32, #tpu.memory_space<vmem>>[vector<16xi32>, vector<16xi32>], vector<16xf32>,
        tpu.vector_store_idx %arg12[%add3A_647, %add3A_605], %gather3A_648 : memref<32x128xf32, #tpu.memory_space<vmem>>[vector<16xi32>, vector<16xi32>], vector<16xf32>,
        %add3A_665 = arith.constant 16 : i32
        %add3A_666 = vector.broadcast %add3A_665 : i32 to vector<16xi32>
        %add3A_667 = arith.addi %select_n3A_301, %add3A_666 : vector<16xi32>
        %gather3A_668 = tpu.vector_load_idx %arg8[%add3A_605, %add3A_667] : memref<128x128xf32, #tpu.memory_space<vmem>>[vector<16xi32>, vector<16xi32>], vector<16xf32>,
        tpu.vector_store_idx %arg12[%add3A_651, %add3A_605], %gather3A_652 : memref<32x128xf32, #tpu.memory_space<vmem>>[vector<16xi32>, vector<16xi32>], vector<16xf32>,
        %add3A_669 = arith.constant 16 : i32
        %add3A_670 = vector.broadcast %add3A_669 : i32 to vector<16xi32>
        %add3A_671 = arith.addi %select_n3A_326, %add3A_670 : vector<16xi32>
        %gather3A_672 = tpu.vector_load_idx %arg8[%add3A_605, %add3A_671] : memref<128x128xf32, #tpu.memory_space<vmem>>[vector<16xi32>, vector<16xi32>], vector<16xf32>,
        tpu.vector_store_idx %arg12[%add3A_655, %add3A_605], %gather3A_656 : memref<32x128xf32, #tpu.memory_space<vmem>>[vector<16xi32>, vector<16xi32>], vector<16xf32>,
        %add3A_673 = arith.constant 16 : i32
        %add3A_674 = vector.broadcast %add3A_673 : i32 to vector<16xi32>
        %add3A_675 = arith.addi %select_n3A_351, %add3A_674 : vector<16xi32>
        %gather3A_676 = tpu.vector_load_idx %arg8[%add3A_605, %add3A_675] : memref<128x128xf32, #tpu.memory_space<vmem>>[vector<16xi32>, vector<16xi32>], vector<16xf32>,
        tpu.vector_store_idx %arg12[%add3A_659, %add3A_605], %gather3A_660 : memref<32x128xf32, #tpu.memory_space<vmem>>[vector<16xi32>, vector<16xi32>], vector<16xf32>,
        %add3A_677 = arith.constant 16 : i32
        %add3A_678 = vector.broadcast %add3A_677 : i32 to vector<16xi32>
        %add3A_679 = arith.addi %select_n3A_376, %add3A_678 : vector<16xi32>
        %gather3A_680 = tpu.vector_load_idx %arg8[%add3A_605, %add3A_679] : memref<128x128xf32, #tpu.memory_space<vmem>>[vector<16xi32>, vector<16xi32>], vector<16xf32>,
        tpu.vector_store_idx %arg12[%add3A_663, %add3A_605], %gather3A_664 : memref<32x128xf32, #tpu.memory_space<vmem>>[vector<16xi32>, vector<16xi32>], vector<16xf32>,
        %add3A_681 = arith.constant 16 : i32
        %add3A_682 = vector.broadcast %add3A_681 : i32 to vector<16xi32>
        %add3A_683 = arith.addi %select_n3A_401, %add3A_682 : vector<16xi32>
        %gather3A_684 = tpu.vector_load_idx %arg8[%add3A_605, %add3A_683] : memref<128x128xf32, #tpu.memory_space<vmem>>[vector<16xi32>, vector<16xi32>], vector<16xf32>,
        tpu.vector_store_idx %arg12[%add3A_667, %add3A_605], %gather3A_668 : memref<32x128xf32, #tpu.memory_space<vmem>>[vector<16xi32>, vector<16xi32>], vector<16xf32>,
        tpu.vector_store_idx %arg12[%add3A_671, %add3A_605], %gather3A_672 : memref<32x128xf32, #tpu.memory_space<vmem>>[vector<16xi32>, vector<16xi32>], vector<16xf32>,
        tpu.vector_store_idx %arg12[%add3A_675, %add3A_605], %gather3A_676 : memref<32x128xf32, #tpu.memory_space<vmem>>[vector<16xi32>, vector<16xi32>], vector<16xf32>,
        tpu.vector_store_idx %arg12[%add3A_679, %add3A_605], %gather3A_680 : memref<32x128xf32, #tpu.memory_space<vmem>>[vector<16xi32>, vector<16xi32>], vector<16xf32>,
        tpu.vector_store_idx %arg12[%add3A_683, %add3A_605], %gather3A_684 : memref<32x128xf32, #tpu.memory_space<vmem>>[vector<16xi32>, vector<16xi32>], vector<16xf32>,
      }
      %scan3A_552 = arith.constant 8 : i32
      %add3A_553 = arith.constant 4 : i32
      %add3A_554 = arith.addi %add3A_534, %add3A_553 : i32
      %lt3A_555 = arith.constant 200 : i32
      %lt3A_556 = arith.cmpi slt, %add3A_554, %lt3A_555 : i32
      %convert_element_type3A_557 = arith.extui %lt3A_556 : i1 to i32
      %cond3A_558 = arith.constant 0 : i32
      %cond3A_559 = arith.cmpi ne, %convert_element_type3A_557, %cond3A_558 : i32
      scf.if %cond3A_559 {
        %add3A_601 = arith.constant 4 : i32
        %add3A_602 = arith.addi %add3A_534, %add3A_601 : i32
        %dma_start3A_603 = arith.constant 0 : i32
        %dma_start3A_604 = tpu.memref_slice %arg5[%add3A_602, %dma_start3A_603] : memref<200x128xi32, #tpu.memory_space<vmem>> -> memref<1x128xi32, #tpu.memory_space<vmem>>
        %dma_start3A_605 = tpu.memref_squeeze %dma_start3A_604 : memref<1x128xi32, #tpu.memory_space<vmem>> -> memref<128xi32, #tpu.memory_space<vmem>>
        %dma_start3A_606 = arith.constant 0 : i32
        %dma_start3A_607 = arith.constant 0 : i32
        %dma_start3A_608 = tpu.memref_slice %arg2[%dma_start3A_606, %dma_start3A_607] : memref<101000x128xf32, #tpu.memory_space<hbm>> -> memref<101000x128xf32, #tpu.memory_space<hbm>>
        tpu.enqueue_indirect_dma source(%dma_start3A_608 : memref<101000x128xf32, #tpu.memory_space<hbm>>) target(%arg8 : memref<128x128xf32, #tpu.memory_space<vmem>>) offsets(%dma_start3A_605 : memref<128xi32, #tpu.memory_space<vmem>>) semaphore(%arg17 : memref<!tpu.dma_semaphore, #tpu.memory_space<semaphore_mem>>)
      } else {
      }
      %dma_start3A_560 = arith.constant 0 : i32
      %dma_start3A_561 = tpu.memref_slice %arg4[%add3A_534, %dma_start3A_560, %mul3A_2] : memref<200x32x4096xf32, #tpu.memory_space<hbm>> -> memref<1x32x128xf32, #tpu.memory_space<hbm>>
      %dma_start3A_562 = tpu.memref_squeeze %dma_start3A_561 : memref<1x32x128xf32, #tpu.memory_space<hbm>> -> memref<32x128xf32, #tpu.memory_space<hbm>>
      %dma_start3A_563 = arith.constant 0 : i32
      %dma_start3A_564 = tpu.memref_slice %arg4[%add3A_534, %dma_start3A_563, %mul3A_2] : memref<200x32x4096xf32, #tpu.memory_space<hbm>> -> memref<1x32x128xf32, #tpu.memory_space<hbm>>
      %dma_start3A_565 = tpu.memref_squeeze %dma_start3A_564 : memref<1x32x128xf32, #tpu.memory_space<hbm>> -> memref<32x128xf32, #tpu.memory_space<hbm>>
      tpu.enqueue_dma source(%arg12 : memref<32x128xf32, #tpu.memory_space<vmem>>) target(%dma_start3A_565 : memref<32x128xf32, #tpu.memory_space<hbm>>) target_semaphore(%arg21 : memref<!tpu.dma_semaphore, #tpu.memory_space<semaphore_mem>>)
      %mul3A_566 = arith.constant 4 : i32
      %mul3A_567 = arith.muli %mul3A_566, %scan3A_463 : i32
      %add3A_568 = arith.constant 3 : i32
      %add3A_569 = arith.addi %mul3A_567, %add3A_568 : i32
      %dma_wait3A_570 = arith.constant 0 : i32
      %dma_wait3A_571 = arith.constant 0 : i32
      %dma_wait3A_572 = tpu.memref_slice %arg5[%dma_wait3A_570, %dma_wait3A_571] : memref<200x128xi32, #tpu.memory_space<vmem>> -> memref<1x128xi32, #tpu.memory_space<vmem>>
      %dma_wait3A_573 = tpu.memref_squeeze %dma_wait3A_572 : memref<1x128xi32, #tpu.memory_space<vmem>> -> memref<128xi32, #tpu.memory_space<vmem>>
      %dma_wait3A_574 = arith.constant 0 : i32
      %dma_wait3A_575 = arith.constant 0 : i32
      %dma_wait3A_576 = tpu.memref_slice %arg2[%dma_wait3A_574, %dma_wait3A_575] : memref<101000x128xf32, #tpu.memory_space<hbm>> -> memref<101000x128xf32, #tpu.memory_space<hbm>>
      tpu.wait_indirect_dma semaphore(%arg18 : memref<!tpu.dma_semaphore, #tpu.memory_space<semaphore_mem>>) src(%dma_wait3A_576 : memref<101000x128xf32, #tpu.memory_space<hbm>>) dst(%arg9 : memref<128x128xf32, #tpu.memory_space<vmem>>)
      %ge3A_577 = arith.constant 4 : i32
      %ge3A_578 = arith.cmpi sge, %add3A_569, %ge3A_577 : i32
      %convert_element_type3A_579 = arith.extui %ge3A_578 : i1 to i32
      %cond3A_580 = arith.constant 0 : i32
      %cond3A_581 = arith.cmpi ne, %convert_element_type3A_579, %cond3A_580 : i32
      scf.if %cond3A_581 {
        %dma_wait3A_601 = arith.constant 0 : i32
        %dma_wait3A_602 = arith.constant 0 : i32
        %dma_wait3A_603 = tpu.memref_slice %arg4[%dma_wait3A_601, %dma_wait3A_602, %mul3A_2] : memref<200x32x4096xf32, #tpu.memory_space<hbm>> -> memref<1x32x128xf32, #tpu.memory_space<hbm>>
        %dma_wait3A_604 = tpu.memref_squeeze %dma_wait3A_603 : memref<1x32x128xf32, #tpu.memory_space<hbm>> -> memref<32x128xf32, #tpu.memory_space<hbm>>
        %dma_wait3A_605 = arith.constant 0 : i32
        %dma_wait3A_606 = tpu.memref_slice %arg4[%dma_wait3A_601, %dma_wait3A_605, %mul3A_2] : memref<200x32x4096xf32, #tpu.memory_space<hbm>> -> memref<1x32x128xf32, #tpu.memory_space<hbm>>
        %dma_wait3A_607 = tpu.memref_squeeze %dma_wait3A_606 : memref<1x32x128xf32, #tpu.memory_space<hbm>> -> memref<32x128xf32, #tpu.memory_space<hbm>>
        tpu.wait_dma2 semaphore(%arg22 : memref<!tpu.dma_semaphore, #tpu.memory_space<semaphore_mem>>) src(%arg13 : memref<32x128xf32, #tpu.memory_space<vmem>>) dst(%dma_wait3A_607 : memref<32x128xf32, #tpu.memory_space<hbm>>)
      } else {
      }
      %scan3A_582 = arith.constant 0 : i32
      %scan3A_583 = arith.constant 0 : i32
      %scan3A_584 = arith.constant 8 : i32
      %scan3A_585 = arith.addi %scan3A_583, %scan3A_584 : i32
      %scan3A_586 = arith.constant 1 : i32
      scf.for %scan3A_601 = %scan3A_583 to %scan3A_585 step %scan3A_586  : i32 {
        %mul3A_602 = arith.constant 16 : i32
        %mul3A_603 = arith.muli %scan3A_601, %mul3A_602 : i32
        %add3A_604 = vector.broadcast %mul3A_603 : i32 to vector<16xi32>
        %add3A_605 = arith.addi %add3A_604, %iota3A : vector<16xi32>
        %gather3A = tpu.vector_load_idx %arg9[%add3A_605, %select_n3A_26] : memref<128x128xf32, #tpu.memory_space<vmem>>[vector<16xi32>, vector<16xi32>], vector<16xf32>,
        %gather3A_606 = tpu.vector_load_idx %arg9[%add3A_605, %select_n3A_51] : memref<128x128xf32, #tpu.memory_space<vmem>>[vector<16xi32>, vector<16xi32>], vector<16xf32>,
        %gather3A_607 = tpu.vector_load_idx %arg9[%add3A_605, %select_n3A_76] : memref<128x128xf32, #tpu.memory_space<vmem>>[vector<16xi32>, vector<16xi32>], vector<16xf32>,
        %gather3A_608 = tpu.vector_load_idx %arg9[%add3A_605, %select_n3A_101] : memref<128x128xf32, #tpu.memory_space<vmem>>[vector<16xi32>, vector<16xi32>], vector<16xf32>,
        %gather3A_609 = tpu.vector_load_idx %arg9[%add3A_605, %select_n3A_126] : memref<128x128xf32, #tpu.memory_space<vmem>>[vector<16xi32>, vector<16xi32>], vector<16xf32>,
        tpu.vector_store_idx %arg13[%select_n3A_26, %add3A_605], %gather3A : memref<32x128xf32, #tpu.memory_space<vmem>>[vector<16xi32>, vector<16xi32>], vector<16xf32>,
        %gather3A_610 = tpu.vector_load_idx %arg9[%add3A_605, %select_n3A_151] : memref<128x128xf32, #tpu.memory_space<vmem>>[vector<16xi32>, vector<16xi32>], vector<16xf32>,
        tpu.vector_store_idx %arg13[%select_n3A_51, %add3A_605], %gather3A_606 : memref<32x128xf32, #tpu.memory_space<vmem>>[vector<16xi32>, vector<16xi32>], vector<16xf32>,
        %gather3A_611 = tpu.vector_load_idx %arg9[%add3A_605, %select_n3A_176] : memref<128x128xf32, #tpu.memory_space<vmem>>[vector<16xi32>, vector<16xi32>], vector<16xf32>,
        tpu.vector_store_idx %arg13[%select_n3A_76, %add3A_605], %gather3A_607 : memref<32x128xf32, #tpu.memory_space<vmem>>[vector<16xi32>, vector<16xi32>], vector<16xf32>,
        %gather3A_612 = tpu.vector_load_idx %arg9[%add3A_605, %select_n3A_201] : memref<128x128xf32, #tpu.memory_space<vmem>>[vector<16xi32>, vector<16xi32>], vector<16xf32>,
        tpu.vector_store_idx %arg13[%select_n3A_101, %add3A_605], %gather3A_608 : memref<32x128xf32, #tpu.memory_space<vmem>>[vector<16xi32>, vector<16xi32>], vector<16xf32>,
        %gather3A_613 = tpu.vector_load_idx %arg9[%add3A_605, %select_n3A_226] : memref<128x128xf32, #tpu.memory_space<vmem>>[vector<16xi32>, vector<16xi32>], vector<16xf32>,
        tpu.vector_store_idx %arg13[%select_n3A_126, %add3A_605], %gather3A_609 : memref<32x128xf32, #tpu.memory_space<vmem>>[vector<16xi32>, vector<16xi32>], vector<16xf32>,
        %gather3A_614 = tpu.vector_load_idx %arg9[%add3A_605, %select_n3A_251] : memref<128x128xf32, #tpu.memory_space<vmem>>[vector<16xi32>, vector<16xi32>], vector<16xf32>,
        tpu.vector_store_idx %arg13[%select_n3A_151, %add3A_605], %gather3A_610 : memref<32x128xf32, #tpu.memory_space<vmem>>[vector<16xi32>, vector<16xi32>], vector<16xf32>,
        %gather3A_615 = tpu.vector_load_idx %arg9[%add3A_605, %select_n3A_276] : memref<128x128xf32, #tpu.memory_space<vmem>>[vector<16xi32>, vector<16xi32>], vector<16xf32>,
        tpu.vector_store_idx %arg13[%select_n3A_176, %add3A_605], %gather3A_611 : memref<32x128xf32, #tpu.memory_space<vmem>>[vector<16xi32>, vector<16xi32>], vector<16xf32>,
        %gather3A_616 = tpu.vector_load_idx %arg9[%add3A_605, %select_n3A_301] : memref<128x128xf32, #tpu.memory_space<vmem>>[vector<16xi32>, vector<16xi32>], vector<16xf32>,
        tpu.vector_store_idx %arg13[%select_n3A_201, %add3A_605], %gather3A_612 : memref<32x128xf32, #tpu.memory_space<vmem>>[vector<16xi32>, vector<16xi32>], vector<16xf32>,
        %gather3A_617 = tpu.vector_load_idx %arg9[%add3A_605, %select_n3A_326] : memref<128x128xf32, #tpu.memory_space<vmem>>[vector<16xi32>, vector<16xi32>], vector<16xf32>,
        tpu.vector_store_idx %arg13[%select_n3A_226, %add3A_605], %gather3A_613 : memref<32x128xf32, #tpu.memory_space<vmem>>[vector<16xi32>, vector<16xi32>], vector<16xf32>,
        %gather3A_618 = tpu.vector_load_idx %arg9[%add3A_605, %select_n3A_351] : memref<128x128xf32, #tpu.memory_space<vmem>>[vector<16xi32>, vector<16xi32>], vector<16xf32>,
        tpu.vector_store_idx %arg13[%select_n3A_251, %add3A_605], %gather3A_614 : memref<32x128xf32, #tpu.memory_space<vmem>>[vector<16xi32>, vector<16xi32>], vector<16xf32>,
        %gather3A_619 = tpu.vector_load_idx %arg9[%add3A_605, %select_n3A_376] : memref<128x128xf32, #tpu.memory_space<vmem>>[vector<16xi32>, vector<16xi32>], vector<16xf32>,
        tpu.vector_store_idx %arg13[%select_n3A_276, %add3A_605], %gather3A_615 : memref<32x128xf32, #tpu.memory_space<vmem>>[vector<16xi32>, vector<16xi32>], vector<16xf32>,
        %gather3A_620 = tpu.vector_load_idx %arg9[%add3A_605, %select_n3A_401] : memref<128x128xf32, #tpu.memory_space<vmem>>[vector<16xi32>, vector<16xi32>], vector<16xf32>,
        tpu.vector_store_idx %arg13[%select_n3A_301, %add3A_605], %gather3A_616 : memref<32x128xf32, #tpu.memory_space<vmem>>[vector<16xi32>, vector<16xi32>], vector<16xf32>,
        tpu.vector_store_idx %arg13[%select_n3A_326, %add3A_605], %gather3A_617 : memref<32x128xf32, #tpu.memory_space<vmem>>[vector<16xi32>, vector<16xi32>], vector<16xf32>,
        tpu.vector_store_idx %arg13[%select_n3A_351, %add3A_605], %gather3A_618 : memref<32x128xf32, #tpu.memory_space<vmem>>[vector<16xi32>, vector<16xi32>], vector<16xf32>,
        tpu.vector_store_idx %arg13[%select_n3A_376, %add3A_605], %gather3A_619 : memref<32x128xf32, #tpu.memory_space<vmem>>[vector<16xi32>, vector<16xi32>], vector<16xf32>,
        tpu.vector_store_idx %arg13[%select_n3A_401, %add3A_605], %gather3A_620 : memref<32x128xf32, #tpu.memory_space<vmem>>[vector<16xi32>, vector<16xi32>], vector<16xf32>,
        %add3A_621 = arith.constant 16 : i32
        %add3A_622 = vector.broadcast %add3A_621 : i32 to vector<16xi32>
        %add3A_623 = arith.addi %select_n3A_26, %add3A_622 : vector<16xi32>
        %gather3A_624 = tpu.vector_load_idx %arg9[%add3A_605, %add3A_623] : memref<128x128xf32, #tpu.memory_space<vmem>>[vector<16xi32>, vector<16xi32>], vector<16xf32>,
        %add3A_625 = arith.constant 16 : i32
        %add3A_626 = vector.broadcast %add3A_625 : i32 to vector<16xi32>
        %add3A_627 = arith.addi %select_n3A_51, %add3A_626 : vector<16xi32>
        %gather3A_628 = tpu.vector_load_idx %arg9[%add3A_605, %add3A_627] : memref<128x128xf32, #tpu.memory_space<vmem>>[vector<16xi32>, vector<16xi32>], vector<16xf32>,
        %add3A_629 = arith.constant 16 : i32
        %add3A_630 = vector.broadcast %add3A_629 : i32 to vector<16xi32>
        %add3A_631 = arith.addi %select_n3A_76, %add3A_630 : vector<16xi32>
        %gather3A_632 = tpu.vector_load_idx %arg9[%add3A_605, %add3A_631] : memref<128x128xf32, #tpu.memory_space<vmem>>[vector<16xi32>, vector<16xi32>], vector<16xf32>,
        %add3A_633 = arith.constant 16 : i32
        %add3A_634 = vector.broadcast %add3A_633 : i32 to vector<16xi32>
        %add3A_635 = arith.addi %select_n3A_101, %add3A_634 : vector<16xi32>
        %gather3A_636 = tpu.vector_load_idx %arg9[%add3A_605, %add3A_635] : memref<128x128xf32, #tpu.memory_space<vmem>>[vector<16xi32>, vector<16xi32>], vector<16xf32>,
        %add3A_637 = arith.constant 16 : i32
        %add3A_638 = vector.broadcast %add3A_637 : i32 to vector<16xi32>
        %add3A_639 = arith.addi %select_n3A_126, %add3A_638 : vector<16xi32>
        %gather3A_640 = tpu.vector_load_idx %arg9[%add3A_605, %add3A_639] : memref<128x128xf32, #tpu.memory_space<vmem>>[vector<16xi32>, vector<16xi32>], vector<16xf32>,
        tpu.vector_store_idx %arg13[%add3A_623, %add3A_605], %gather3A_624 : memref<32x128xf32, #tpu.memory_space<vmem>>[vector<16xi32>, vector<16xi32>], vector<16xf32>,
        %add3A_641 = arith.constant 16 : i32
        %add3A_642 = vector.broadcast %add3A_641 : i32 to vector<16xi32>
        %add3A_643 = arith.addi %select_n3A_151, %add3A_642 : vector<16xi32>
        %gather3A_644 = tpu.vector_load_idx %arg9[%add3A_605, %add3A_643] : memref<128x128xf32, #tpu.memory_space<vmem>>[vector<16xi32>, vector<16xi32>], vector<16xf32>,
        tpu.vector_store_idx %arg13[%add3A_627, %add3A_605], %gather3A_628 : memref<32x128xf32, #tpu.memory_space<vmem>>[vector<16xi32>, vector<16xi32>], vector<16xf32>,
        %add3A_645 = arith.constant 16 : i32
        %add3A_646 = vector.broadcast %add3A_645 : i32 to vector<16xi32>
        %add3A_647 = arith.addi %select_n3A_176, %add3A_646 : vector<16xi32>
        %gather3A_648 = tpu.vector_load_idx %arg9[%add3A_605, %add3A_647] : memref<128x128xf32, #tpu.memory_space<vmem>>[vector<16xi32>, vector<16xi32>], vector<16xf32>,
        tpu.vector_store_idx %arg13[%add3A_631, %add3A_605], %gather3A_632 : memref<32x128xf32, #tpu.memory_space<vmem>>[vector<16xi32>, vector<16xi32>], vector<16xf32>,
        %add3A_649 = arith.constant 16 : i32
        %add3A_650 = vector.broadcast %add3A_649 : i32 to vector<16xi32>
        %add3A_651 = arith.addi %select_n3A_201, %add3A_650 : vector<16xi32>
        %gather3A_652 = tpu.vector_load_idx %arg9[%add3A_605, %add3A_651] : memref<128x128xf32, #tpu.memory_space<vmem>>[vector<16xi32>, vector<16xi32>], vector<16xf32>,
        tpu.vector_store_idx %arg13[%add3A_635, %add3A_605], %gather3A_636 : memref<32x128xf32, #tpu.memory_space<vmem>>[vector<16xi32>, vector<16xi32>], vector<16xf32>,
        %add3A_653 = arith.constant 16 : i32
        %add3A_654 = vector.broadcast %add3A_653 : i32 to vector<16xi32>
        %add3A_655 = arith.addi %select_n3A_226, %add3A_654 : vector<16xi32>
        %gather3A_656 = tpu.vector_load_idx %arg9[%add3A_605, %add3A_655] : memref<128x128xf32, #tpu.memory_space<vmem>>[vector<16xi32>, vector<16xi32>], vector<16xf32>,
        tpu.vector_store_idx %arg13[%add3A_639, %add3A_605], %gather3A_640 : memref<32x128xf32, #tpu.memory_space<vmem>>[vector<16xi32>, vector<16xi32>], vector<16xf32>,
        %add3A_657 = arith.constant 16 : i32
        %add3A_658 = vector.broadcast %add3A_657 : i32 to vector<16xi32>
        %add3A_659 = arith.addi %select_n3A_251, %add3A_658 : vector<16xi32>
        %gather3A_660 = tpu.vector_load_idx %arg9[%add3A_605, %add3A_659] : memref<128x128xf32, #tpu.memory_space<vmem>>[vector<16xi32>, vector<16xi32>], vector<16xf32>,
        tpu.vector_store_idx %arg13[%add3A_643, %add3A_605], %gather3A_644 : memref<32x128xf32, #tpu.memory_space<vmem>>[vector<16xi32>, vector<16xi32>], vector<16xf32>,
        %add3A_661 = arith.constant 16 : i32
        %add3A_662 = vector.broadcast %add3A_661 : i32 to vector<16xi32>
        %add3A_663 = arith.addi %select_n3A_276, %add3A_662 : vector<16xi32>
        %gather3A_664 = tpu.vector_load_idx %arg9[%add3A_605, %add3A_663] : memref<128x128xf32, #tpu.memory_space<vmem>>[vector<16xi32>, vector<16xi32>], vector<16xf32>,
        tpu.vector_store_idx %arg13[%add3A_647, %add3A_605], %gather3A_648 : memref<32x128xf32, #tpu.memory_space<vmem>>[vector<16xi32>, vector<16xi32>], vector<16xf32>,
        %add3A_665 = arith.constant 16 : i32
        %add3A_666 = vector.broadcast %add3A_665 : i32 to vector<16xi32>
        %add3A_667 = arith.addi %select_n3A_301, %add3A_666 : vector<16xi32>
        %gather3A_668 = tpu.vector_load_idx %arg9[%add3A_605, %add3A_667] : memref<128x128xf32, #tpu.memory_space<vmem>>[vector<16xi32>, vector<16xi32>], vector<16xf32>,
        tpu.vector_store_idx %arg13[%add3A_651, %add3A_605], %gather3A_652 : memref<32x128xf32, #tpu.memory_space<vmem>>[vector<16xi32>, vector<16xi32>], vector<16xf32>,
        %add3A_669 = arith.constant 16 : i32
        %add3A_670 = vector.broadcast %add3A_669 : i32 to vector<16xi32>
        %add3A_671 = arith.addi %select_n3A_326, %add3A_670 : vector<16xi32>
        %gather3A_672 = tpu.vector_load_idx %arg9[%add3A_605, %add3A_671] : memref<128x128xf32, #tpu.memory_space<vmem>>[vector<16xi32>, vector<16xi32>], vector<16xf32>,
        tpu.vector_store_idx %arg13[%add3A_655, %add3A_605], %gather3A_656 : memref<32x128xf32, #tpu.memory_space<vmem>>[vector<16xi32>, vector<16xi32>], vector<16xf32>,
        %add3A_673 = arith.constant 16 : i32
        %add3A_674 = vector.broadcast %add3A_673 : i32 to vector<16xi32>
        %add3A_675 = arith.addi %select_n3A_351, %add3A_674 : vector<16xi32>
        %gather3A_676 = tpu.vector_load_idx %arg9[%add3A_605, %add3A_675] : memref<128x128xf32, #tpu.memory_space<vmem>>[vector<16xi32>, vector<16xi32>], vector<16xf32>,
        tpu.vector_store_idx %arg13[%add3A_659, %add3A_605], %gather3A_660 : memref<32x128xf32, #tpu.memory_space<vmem>>[vector<16xi32>, vector<16xi32>], vector<16xf32>,
        %add3A_677 = arith.constant 16 : i32
        %add3A_678 = vector.broadcast %add3A_677 : i32 to vector<16xi32>
        %add3A_679 = arith.addi %select_n3A_376, %add3A_678 : vector<16xi32>
        %gather3A_680 = tpu.vector_load_idx %arg9[%add3A_605, %add3A_679] : memref<128x128xf32, #tpu.memory_space<vmem>>[vector<16xi32>, vector<16xi32>], vector<16xf32>,
        tpu.vector_store_idx %arg13[%add3A_663, %add3A_605], %gather3A_664 : memref<32x128xf32, #tpu.memory_space<vmem>>[vector<16xi32>, vector<16xi32>], vector<16xf32>,
        %add3A_681 = arith.constant 16 : i32
        %add3A_682 = vector.broadcast %add3A_681 : i32 to vector<16xi32>
        %add3A_683 = arith.addi %select_n3A_401, %add3A_682 : vector<16xi32>
        %gather3A_684 = tpu.vector_load_idx %arg9[%add3A_605, %add3A_683] : memref<128x128xf32, #tpu.memory_space<vmem>>[vector<16xi32>, vector<16xi32>], vector<16xf32>,
        tpu.vector_store_idx %arg13[%add3A_667, %add3A_605], %gather3A_668 : memref<32x128xf32, #tpu.memory_space<vmem>>[vector<16xi32>, vector<16xi32>], vector<16xf32>,
        tpu.vector_store_idx %arg13[%add3A_671, %add3A_605], %gather3A_672 : memref<32x128xf32, #tpu.memory_space<vmem>>[vector<16xi32>, vector<16xi32>], vector<16xf32>,
        tpu.vector_store_idx %arg13[%add3A_675, %add3A_605], %gather3A_676 : memref<32x128xf32, #tpu.memory_space<vmem>>[vector<16xi32>, vector<16xi32>], vector<16xf32>,
        tpu.vector_store_idx %arg13[%add3A_679, %add3A_605], %gather3A_680 : memref<32x128xf32, #tpu.memory_space<vmem>>[vector<16xi32>, vector<16xi32>], vector<16xf32>,
        tpu.vector_store_idx %arg13[%add3A_683, %add3A_605], %gather3A_684 : memref<32x128xf32, #tpu.memory_space<vmem>>[vector<16xi32>, vector<16xi32>], vector<16xf32>,
      }
      %scan3A_587 = arith.constant 8 : i32
      %add3A_588 = arith.constant 4 : i32
      %add3A_589 = arith.addi %add3A_569, %add3A_588 : i32
      %lt3A_590 = arith.constant 200 : i32
      %lt3A_591 = arith.cmpi slt, %add3A_589, %lt3A_590 : i32
      %convert_element_type3A_592 = arith.extui %lt3A_591 : i1 to i32
      %cond3A_593 = arith.constant 0 : i32
      %cond3A_594 = arith.cmpi ne, %convert_element_type3A_592, %cond3A_593 : i32
      scf.if %cond3A_594 {
        %add3A_601 = arith.constant 4 : i32
        %add3A_602 = arith.addi %add3A_569, %add3A_601 : i32
        %dma_start3A_603 = arith.constant 0 : i32
        %dma_start3A_604 = tpu.memref_slice %arg5[%add3A_602, %dma_start3A_603] : memref<200x128xi32, #tpu.memory_space<vmem>> -> memref<1x128xi32, #tpu.memory_space<vmem>>
        %dma_start3A_605 = tpu.memref_squeeze %dma_start3A_604 : memref<1x128xi32, #tpu.memory_space<vmem>> -> memref<128xi32, #tpu.memory_space<vmem>>
        %dma_start3A_606 = arith.constant 0 : i32
        %dma_start3A_607 = arith.constant 0 : i32
        %dma_start3A_608 = tpu.memref_slice %arg2[%dma_start3A_606, %dma_start3A_607] : memref<101000x128xf32, #tpu.memory_space<hbm>> -> memref<101000x128xf32, #tpu.memory_space<hbm>>
        tpu.enqueue_indirect_dma source(%dma_start3A_608 : memref<101000x128xf32, #tpu.memory_space<hbm>>) target(%arg9 : memref<128x128xf32, #tpu.memory_space<vmem>>) offsets(%dma_start3A_605 : memref<128xi32, #tpu.memory_space<vmem>>) semaphore(%arg18 : memref<!tpu.dma_semaphore, #tpu.memory_space<semaphore_mem>>)
      } else {
      }
      %dma_start3A_595 = arith.constant 0 : i32
      %dma_start3A_596 = tpu.memref_slice %arg4[%add3A_569, %dma_start3A_595, %mul3A_2] : memref<200x32x4096xf32, #tpu.memory_space<hbm>> -> memref<1x32x128xf32, #tpu.memory_space<hbm>>
      %dma_start3A_597 = tpu.memref_squeeze %dma_start3A_596 : memref<1x32x128xf32, #tpu.memory_space<hbm>> -> memref<32x128xf32, #tpu.memory_space<hbm>>
      %dma_start3A_598 = arith.constant 0 : i32
      %dma_start3A_599 = tpu.memref_slice %arg4[%add3A_569, %dma_start3A_598, %mul3A_2] : memref<200x32x4096xf32, #tpu.memory_space<hbm>> -> memref<1x32x128xf32, #tpu.memory_space<hbm>>
      %dma_start3A_600 = tpu.memref_squeeze %dma_start3A_599 : memref<1x32x128xf32, #tpu.memory_space<hbm>> -> memref<32x128xf32, #tpu.memory_space<hbm>>
      tpu.enqueue_dma source(%arg13 : memref<32x128xf32, #tpu.memory_space<vmem>>) target(%dma_start3A_600 : memref<32x128xf32, #tpu.memory_space<hbm>>) target_semaphore(%arg22 : memref<!tpu.dma_semaphore, #tpu.memory_space<semaphore_mem>>)
    }
    %scan3A_434 = arith.constant 50 : i32
    %dma_wait3A_435 = arith.constant 0 : i32
    %dma_wait3A_436 = arith.constant 0 : i32
    %dma_wait3A_437 = tpu.memref_slice %arg4[%dma_wait3A_435, %dma_wait3A_436, %mul3A_2] : memref<200x32x4096xf32, #tpu.memory_space<hbm>> -> memref<1x32x128xf32, #tpu.memory_space<hbm>>
    %dma_wait3A_438 = tpu.memref_squeeze %dma_wait3A_437 : memref<1x32x128xf32, #tpu.memory_space<hbm>> -> memref<32x128xf32, #tpu.memory_space<hbm>>
    %dma_wait3A_439 = arith.constant 0 : i32
    %dma_wait3A_440 = tpu.memref_slice %arg4[%dma_wait3A_435, %dma_wait3A_439, %mul3A_2] : memref<200x32x4096xf32, #tpu.memory_space<hbm>> -> memref<1x32x128xf32, #tpu.memory_space<hbm>>
    %dma_wait3A_441 = tpu.memref_squeeze %dma_wait3A_440 : memref<1x32x128xf32, #tpu.memory_space<hbm>> -> memref<32x128xf32, #tpu.memory_space<hbm>>
    tpu.wait_dma2 semaphore(%arg19 : memref<!tpu.dma_semaphore, #tpu.memory_space<semaphore_mem>>) src(%arg10 : memref<32x128xf32, #tpu.memory_space<vmem>>) dst(%dma_wait3A_441 : memref<32x128xf32, #tpu.memory_space<hbm>>)
    %dma_wait3A_442 = arith.constant 0 : i32
    %dma_wait3A_443 = arith.constant 0 : i32
    %dma_wait3A_444 = tpu.memref_slice %arg4[%dma_wait3A_442, %dma_wait3A_443, %mul3A_2] : memref<200x32x4096xf32, #tpu.memory_space<hbm>> -> memref<1x32x128xf32, #tpu.memory_space<hbm>>
    %dma_wait3A_445 = tpu.memref_squeeze %dma_wait3A_444 : memref<1x32x128xf32, #tpu.memory_space<hbm>> -> memref<32x128xf32, #tpu.memory_space<hbm>>
    %dma_wait3A_446 = arith.constant 0 : i32
    %dma_wait3A_447 = tpu.memref_slice %arg4[%dma_wait3A_442, %dma_wait3A_446, %mul3A_2] : memref<200x32x4096xf32, #tpu.memory_space<hbm>> -> memref<1x32x128xf32, #tpu.memory_space<hbm>>
    %dma_wait3A_448 = tpu.memref_squeeze %dma_wait3A_447 : memref<1x32x128xf32, #tpu.memory_space<hbm>> -> memref<32x128xf32, #tpu.memory_space<hbm>>
    tpu.wait_dma2 semaphore(%arg20 : memref<!tpu.dma_semaphore, #tpu.memory_space<semaphore_mem>>) src(%arg11 : memref<32x128xf32, #tpu.memory_space<vmem>>) dst(%dma_wait3A_448 : memref<32x128xf32, #tpu.memory_space<hbm>>)
    %dma_wait3A_449 = arith.constant 0 : i32
    %dma_wait3A_450 = arith.constant 0 : i32
    %dma_wait3A_451 = tpu.memref_slice %arg4[%dma_wait3A_449, %dma_wait3A_450, %mul3A_2] : memref<200x32x4096xf32, #tpu.memory_space<hbm>> -> memref<1x32x128xf32, #tpu.memory_space<hbm>>
    %dma_wait3A_452 = tpu.memref_squeeze %dma_wait3A_451 : memref<1x32x128xf32, #tpu.memory_space<hbm>> -> memref<32x128xf32, #tpu.memory_space<hbm>>
    %dma_wait3A_453 = arith.constant 0 : i32
    %dma_wait3A_454 = tpu.memref_slice %arg4[%dma_wait3A_449, %dma_wait3A_453, %mul3A_2] : memref<200x32x4096xf32, #tpu.memory_space<hbm>> -> memref<1x32x128xf32, #tpu.memory_space<hbm>>
    %dma_wait3A_455 = tpu.memref_squeeze %dma_wait3A_454 : memref<1x32x128xf32, #tpu.memory_space<hbm>> -> memref<32x128xf32, #tpu.memory_space<hbm>>
    tpu.wait_dma2 semaphore(%arg21 : memref<!tpu.dma_semaphore, #tpu.memory_space<semaphore_mem>>) src(%arg12 : memref<32x128xf32, #tpu.memory_space<vmem>>) dst(%dma_wait3A_455 : memref<32x128xf32, #tpu.memory_space<hbm>>)
    %dma_wait3A_456 = arith.constant 0 : i32
    %dma_wait3A_457 = arith.constant 0 : i32
    %dma_wait3A_458 = tpu.memref_slice %arg4[%dma_wait3A_456, %dma_wait3A_457, %mul3A_2] : memref<200x32x4096xf32, #tpu.memory_space<hbm>> -> memref<1x32x128xf32, #tpu.memory_space<hbm>>
    %dma_wait3A_459 = tpu.memref_squeeze %dma_wait3A_458 : memref<1x32x128xf32, #tpu.memory_space<hbm>> -> memref<32x128xf32, #tpu.memory_space<hbm>>
    %dma_wait3A_460 = arith.constant 0 : i32
    %dma_wait3A_461 = tpu.memref_slice %arg4[%dma_wait3A_456, %dma_wait3A_460, %mul3A_2] : memref<200x32x4096xf32, #tpu.memory_space<hbm>> -> memref<1x32x128xf32, #tpu.memory_space<hbm>>
    %dma_wait3A_462 = tpu.memref_squeeze %dma_wait3A_461 : memref<1x32x128xf32, #tpu.memory_space<hbm>> -> memref<32x128xf32, #tpu.memory_space<hbm>>
    tpu.wait_dma2 semaphore(%arg22 : memref<!tpu.dma_semaphore, #tpu.memory_space<semaphore_mem>>) src(%arg13 : memref<32x128xf32, #tpu.memory_space<vmem>>) dst(%dma_wait3A_462 : memref<32x128xf32, #tpu.memory_space<hbm>>)
    return
  }
}

</mosaic_0001>

<sc_bundles>
// kernel: _gather.3.cloned.1.call-start
scs
__scs_entry_jumppad:
0x0: {  	(pc) =	sbr.rel $0x88, $3  }
0x1: {  	(tag) =	ssettag $0x0;
	lr =	simm.s32 $0x1  }
0x2: {  	[smem:$0x3F9F] =	sst lr;
	_ =	strace $0xD0000000  }
0x3: {  	_ = 	snop  }
0x4: {  	_ = 	snop  }
0x5: {  	_ = 	snop  }
0x6: {  	_ = 	snop  }
0x7: {  	_ = 	snop  }
__scs_overlays_trampoline_lowered:
0x8: {  	[smem:$0x3FAE] =	sst s0  }
0x9: {  	[smem:$0x3FAF] =	sst s1  }
0xa: {  	[smem:$0x3FB0] =	sst s2  }
0xb: {  	[smem:$0x3FB1] =	sst s3  }
0xc: {  	[smem:$0x3FB2] =	sst s4  }
0xd: {  	[smem:$0x3FB3] =	sst s5  }
0xe: {  	[smem:$0x3FB4] =	sst s6  }
0xf: {  	[smem:$0x3FB5] =	sst s7  }
0x10: {  	[smem:$0x3FB6] =	sst s8  }
0x11: {  	[smem:$0x3FB7] =	sst s9;
	s0 =	simm.s32 @!p0 $0x0  }
0x12: {  	s1 =	sld [smem:$0x3F9D];
	s0 =	simm.s32 @p0 $0x1  }
0x13: {  	[smem:$0x3FB8] =	sst s0;
	s0 =	simm.s32 @!p1 $0x0  }
0x14: {  	s2 =	sld [smem:$0x3F9C];
	s0 =	simm.s32 @p1 $0x1  }
0x15: {  	[smem:$0x3FB9] =	sst s0;
	s0 =	simm.s32 @!p2 $0x0  }
0x16: {  	s3 =	sld [smem:$0x3FDB];
	s0 =	simm.s32 @p2 $0x1  }
0x17: {  	s4 =	simm.s32 $0x1BF5;
	[smem:$0x3FBB] =	sst s0  }
0x18: {  	s0 =	sld [smem:$0x3F9E];
	_ =	swait.ge [sflag:s4], $0x0  }
0x19: {  	s7 =	sld [smem:$0x3F9F]  }
0x1a: {  	s8 =	sadd.s32 $0xFFFFE003, lr  }
0x1b: {  	s9 =	sadd.s32 $0xFFFFFEF7, lr;
	s5 =	simm.s32 $0xFFFFFFFF;
	p2 =	slt.u32 s8, $0xFFFFF086  }
0x1c: {  	p1 =	slt.u32 s9, $0xF7A;
	s5 =	simm.s32 @!p2 $0x0  }
0x1d: {  	s5 =	simm.s32 @p1 $0x1;
	p0 =	seq.s32 s7, s2  }
0x1e: {  	s7 =	smul.u32 @!p0 $0xF7A, s2;
	p2 =	seq.s32 @!p0 s5, $0x0  }
0x1f: {  	s9 =	smul.u32 $0xF7A, s1;
	s8 =	simm.s32 @!p0 $0x1BF5;
	p2 =	por !p2, p0  }
0x20: {  	[sflag:s8] =	ssyncset.s32 @!p0 $0xFFFFF086;
	s6 =	sadd.s32 @!p0 s3, s7;
	s7 =	simm.s32 @!p0 $0x108  }
0x21: {  	s3 =	sadd.s32 s3, s9;
	s6 =	sadd.s32 @!p0 $0x88, s6;
	s7 =	simm.s32 @p2 $0x1082  }
0x22: {  	[simem:s7], [sflag:s8] =	dma.local @!p0 [hbm:s6], $0xF7A  }
0x23: {  	s9 =	sor.u32 $0xD0000000, s2;
	s6 =	simm.s32 $0x108;
	_ =	swait.ge @!p0 [sflag:s8], $0x0  }
0x24: {  	s3 =	sadd.s32 $0x88, s3;
	s6 =	simm.s32 @!p1 $0x1082;
	[sflag:s4] =	ssyncset.s32 $0xFFFFF086  }
0x25: {  	[simem:s6], [sflag:s4] =	dma.local [hbm:s3], $0xF7A  }
0x26: {  	[smem:$0x3F9F] =	sst s1;
	(tag) =	ssettag s2;
	_ =	strace s9  }
0x27: {  	s1 =	sld [smem:$0x3FAF]  }
0x28: {  	s2 =	sld [smem:$0x3FB0]  }
0x29: {  	s4 =	sld [smem:$0x3FB2]  }
0x2a: {  	p0 =	seq.s32 s5, $0x0;
	s5 =	sld [smem:$0x3FB3]  }
0x2b: {  	s6 =	sld [smem:$0x3FB4]  }
0x2c: {  	s7 =	sld [smem:$0x3FB5]  }
0x2d: {  	s3 =	simm.s32 $0x108;
	s8 =	sld [smem:$0x3FB6]  }
0x2e: {  	s3 =	simm.s32 @!p0 $0x1082;
	s9 =	sld [smem:$0x3FB7]  }
0x2f: {  	lr =	sadd.s32 s0, s3;
	s0 =	sld [smem:$0x3FAE]  }
0x30: {  	s3 =	sld [smem:$0x3FB1]  }
0x31: {  	[smem:$0x3FBA] =	sst s10  }
0x32: {  	s10 =	sld [smem:$0x3FB8];
	_ =	sdelay $0x3  }
0x33: {  	p0 =	seq.s32 s10, $0x1;
	s10 =	sld [smem:$0x3FBA];
	_ =	sdelay $0x3  }
0x34: {  	[smem:$0x3FBA] =	sst s10  }
0x35: {  	s10 =	sld [smem:$0x3FB9];
	_ =	sdelay $0x3  }
0x36: {  	p1 =	seq.s32 s10, $0x1;
	s10 =	sld [smem:$0x3FBA];
	_ =	sdelay $0x3  }
0x37: {  	[smem:$0x3FBA] =	sst s10  }
0x38: {  	s10 =	sld [smem:$0x3FBB]  }
0x39: {  	_ = 	snop;
	(pc) =	sbr.ind lr, $3  }
0x3a: {  	_ = 	snop  }
0x3b: {  	_ = 	snop  }
0x3c: {  	p2 =	seq.s32 s10, $0x1;
	s10 =	sld [smem:$0x3FBA]  }
0x3d: {  	_ =	shalt  }
0x3e: {  	_ =	shalt  }
0x3f: {  	_ =	shalt  }
0x40: {  	_ =	shalt  }
0x41: {  	_ =	shalt  }
0x42: {  	_ =	shalt  }
0x43: {  	_ =	shalt  }
0x44: {  	_ =	shalt  }
0x45: {  	_ =	shalt  }
0x46: {  	_ =	shalt  }
0x47: {  	_ =	shalt  }
0x48: {  	_ =	shalt  }
0x49: {  	_ =	shalt  }
0x4a: {  	_ =	shalt  }
0x4b: {  	_ =	shalt  }
0x4c: {  	_ =	shalt  }
0x4d: {  	_ =	shalt  }
0x4e: {  	_ =	shalt  }
0x4f: {  	_ =	shalt  }
0x50: {  	_ =	shalt  }
0x51: {  	_ =	shalt  }
0x52: {  	_ =	shalt  }
0x53: {  	_ =	shalt  }
0x54: {  	_ =	shalt  }
0x55: {  	_ =	shalt  }
0x56: {  	_ =	shalt  }
0x57: {  	_ =	shalt  }
0x58: {  	_ =	shalt  }
0x59: {  	_ =	shalt  }
0x5a: {  	_ =	shalt  }
0x5b: {  	_ =	shalt  }
0x5c: {  	_ =	shalt  }
0x5d: {  	_ =	shalt  }
0x5e: {  	_ =	shalt  }
0x5f: {  	_ =	shalt  }
0x60: {  	_ =	shalt  }
0x61: {  	_ =	shalt  }
0x62: {  	_ =	shalt  }
0x63: {  	_ =	shalt  }
0x64: {  	_ =	shalt  }
0x65: {  	_ =	shalt  }
0x66: {  	_ =	shalt  }
0x67: {  	_ =	shalt  }
0x68: {  	_ =	shalt  }
0x69: {  	_ =	shalt  }
0x6a: {  	_ =	shalt  }
0x6b: {  	_ =	shalt  }
0x6c: {  	_ =	shalt  }
0x6d: {  	_ =	shalt  }
0x6e: {  	_ =	shalt  }
0x6f: {  	_ =	shalt  }
0x70: {  	_ =	shalt  }
0x71: {  	_ =	shalt  }
0x72: {  	_ =	shalt  }
0x73: {  	_ =	shalt  }
0x74: {  	_ =	shalt  }
0x75: {  	_ =	shalt  }
0x76: {  	_ =	shalt  }
0x77: {  	_ =	shalt  }
0x78: {  	_ =	shalt  }
0x79: {  	_ =	shalt  }
0x7a: {  	_ =	shalt  }
0x7b: {  	_ =	shalt  }
0x7c: {  	_ =	shalt  }
0x7d: {  	_ =	shalt  }
0x7e: {  	_ =	shalt  }
0x7f: {  	_ =	shalt  }
0x80: {  	_ =	shalt  }
0x81: {  	_ =	shalt  }
0x82: {  	_ =	shalt  }
0x83: {  	_ =	shalt  }
0x84: {  	_ =	shalt  }
0x85: {  	_ =	shalt  }
0x86: {  	_ =	shalt  }
0x87: {  	_ =	shalt  }
.Lfunc_end0:
.L_simem_size_0:
called_computation_lowered:
.L_overlay_start_0:
0x88: {  	s2 =	sld [smem:$0x3FD9]  }
0x89: {  	s3 =	sld [smem:$0x3FFE];
	_ =	sdelay $0x1  }
0x8a: {  	s1 =	srdreg.scid  }
0x8b: {  	s0 =	sand.u32 $0x1, s1  }
0x8c: {  	s18 =	sshll.u32 s0, $0xA;
	s2 =	sadd.s32 s3, s2  }
0x8d: {  	s2 =	sadd.s32 s2, s18  }
0x8e: {  	[smem:$0x3FC6] =	sst s2  }
0x8f: {  	_ = 	snop  }
0x90: {  	s2 =	sld [smem:$0x3FC9]  }
0x91: {  	s19 =	sld [smem:$0x3FC8]  }
0x92: {  	s4 =	sld [smem:$0x3FD0];
	(tm) =	ssettm $0x1  }
0x93: {  	s5 =	sld [smem:$0x3FFB];
	_ =	sdelay $0x3  }
0x94: {  	_ =	strace s5  }
0x95: {  	s5 =	sld [smem:$0x3FFC];
	_ =	sdelay $0x3  }
0x96: {  	_ =	strace s5  }
0x97: {  	s5 =	sld [smem:$0x3FFD];
	_ =	sdelay $0x3  }
0x98: {  	_ =	strace s5  }
0x99: {  	_ =	strace $0x8FFFFFFF  }
0x9a: {  	s20 =	sld [smem:$0x3FDB];
	_ =	sdelay $0x1  }
0x9b: {  	s6 =	simm.s32 $_scs_section_size  }
0x9c: {  	s7 =	simm.s32 $_size__tile_overlayer_lowered;
	s8 =	simm.s32 $_tile_overlayer_lowered  }
0x9d: {  	s23 =	simm.s32 $0x1BFF;
	s22 =	sshll.u32 s8, $0x1;
	s5 =	sadd.s32 s6, s20  }
0x9e: {  	s9 =	simm.s32 $0x0;
	s21 =	sshll.u32 s7, $0x1;
	s7 =	sadd.s32 s22, s5  }
0x9f: {  	[timem:s9], [sflag:s23] =	dma.local [hbm:s7], s21  }
0xa0: {  	_ =	swait.ge [sflag:s23], s21  }
0xa1: {  	s6 =	ssub.s32 $0x0, s21;
	[sflag:s23] =	ssyncset.done $0x0  }
0xa2: {  	[sflag:s23] =	ssyncadd.s32 s6;
	_ =	sdelay $0x1  }
0xa3: {  	s24 =	simm.s32 $0x1B8B  }
0xa4: {  	_ =	swait.ge [sflag:s24], $0x1  }
0xa5: {  	[sflag:s24] =	ssyncset.done $0x0  }
0xa6: {  	s25 =	simm.s32 $0x1B8E;
	[sflag:s24] =	ssyncadd.s32 $0xFFFFFFFF  }
0xa7: {  	s26 =	simm.s32 $execute0_lowered;
	[smem:$0x3FD2] =	sst s25  }
0xa8: {  	s6 =	sshll.u32 s26, $0x1;
	_ =	strace $0x80000046;
	[dreg:$0x1] =	wrdreg $0xFFFFFFFF  }
0xa9: {  	s28 =	simm.s32 $_size_execute0_lowered;
	s5 =	sadd.s32 s5, s6;
	[dreg:$0x0] =	wrdreg $0x0  }
0xaa: {  	s6 =	sshll.u32 s28, $0x1;
	[dreg:$0x2] =	wrdreg s5  }
0xab: {  	[dreg:$0x3] =	wrdreg s6  }
0xac: {  	[dreg:$0x4] =	wrdreg $0xC0  }
0xad: {  	_ =	task [dreg:s9], $0x5FFFF  }
0xae: {  	[dreg:$0x1] =	wrdreg $0xFFFFFFFF  }
0xaf: {  	[dreg:$0x0] =	wrdreg $0x60  }
0xb0: {  	[dreg:$0x2] =	wrdreg s2  }
0xb1: {  	[dreg:$0x3] =	wrdreg s19  }
0xb2: {  	[dreg:$0x4] =	wrdreg s4  }
0xb3: {  	[dreg:$0x5] =	wrdreg $0x9  }
0xb4: {  	_ =	task.clear_ibuf [dreg:s9], $0x6FFFF;
	_ =	strace $0x90000046  }
0xb5: {  	s29 =	simm.s32 $0x9;
	_ =	strace $0x80000048  }
0xb6: {  	_ =	swait.ge [sflag:s29], $0x1  }
0xb7: {  	[sflag:s29] =	ssyncadd.s32 $0xFFFFFFFF  }
0xb8: {  	_ =	strace $0x90000048  }
0xb9: {  	_ =	sfence  }
0xba: {  	s30 =	sld [smem:$0x0];
	_ =	sdelay $0x2  }
0xbb: {  	s31 =	sshll.u32 s1, $0xD;
	s1 =	sshrl.u32 s1, $0x2  }
0xbc: {  	s3 =	sand.u32 $0x4000, s31;
	s1 =	sadd.s32 s1, s30  }
0xbd: {  	s0 =	sor.u32 s3, s0;
	s1 =	sshll.u32 s1, $0x11  }
0xbe: {  	s0 =	sor.u32 s1, s0  }
0xbf: {  	s0 =	sadd.s32 $0x8F2B, s0  }
0xc0: {  	[sflag:s0] =	ssyncadd.remote.s32 $0x1  }
0xc1: {  	_ =	sfence.sel $0xFFFF  }
0xc2: {  	[dreg:$0x0] =	wrdreg $0xFFFFFFFF;
	(pc) =	sbr.abs _section_cstart, $3  }
0xc3: {  	[dreg:$0x1] =	wrdreg $0xFFFFFFFF  }
0xc4: {  	_ =	task.clear_ibuf [dreg:s9], $0x2FFFF;
	_ =	strace $0x9FFFFFFF  }
0xc5: {  	(tm) =	ssettm $0x7FFFFFFF  }
tec
execute0_lowered:
.L_overlay_start_1:
0x0: {  	(tag) =	ssettag $0x1  }
0x1: {  	v0 =	vimm.s32 $0xFEDCBA9;
	v51 =	vimm.s32 $0x87654321;
	v1 =	vimm.s32 $0x10FEDCBA  }
0x2: {  	v2 =	vimm.s32 $0x98765432;
	v3 =	vimm.s32 $0x210FEDCB;
	v53 =	vimm.s32 $0xA9876543  }
0x3: {  	v55 =	vimm.s32 $0x3210FEDC;
	v56 =	vimm.s32 $0xBA987654;
	v8 =	vlaneseq.u32  }
0x4: {  	v5 =	vimm.s32 $0x43210FED;
	vm14 =	vcmask $0x300;
	v6 =	vimm.s32 $0xF  }
0x5: {  	v7 =	vimm.s32 $0xCBA98765;
	vm15 =	vcmask $0x704;
	vm13 =	vcmask $0xB08  }
0x6: {  	vm12 =	vcmask $0xF0C;
	vm11 =	vcmask $0x1310;
	vm10 =	vcmask $0x1714  }
0x7: {  	vm9 =	vcmask $0x1B18;
	vm8 =	vcmask $0x1F1C;
	vm7 =	vcmask $0x2320  }
0x8: {  	vm6 =	vcmask $0x2724;
	vm5 =	vcmask $0x2B28;
	vm4 =	vcmask $0x2F2C  }
0x9: {  	vm3 =	vcmask $0x3330;
	vm2 =	vcmask $0x3734;
	vm1 =	vcmask $0x3B38  }
0xa: {  	v9 =	vimm.s32 $0x543210FE;
	v10 =	vimm.s32 $0x10F;
	v36 =	vimm.s32 $0xDCBA9876  }
0xb: {  	v39 =	vimm.s32 $0x6543210F;
	v12 =	vimm.s32 $0xEDCBA987;
	v21 =	vimm.s32 $0x76543210  }
0xc: {  	v22 =	vimm.s32 $0x18F;
	v28 =	vimm.s32 $0x20F;
	v30 =	vimm.s32 $0x70F  }
0xd: {  	vm0 =	vcmask $0x1F10;
	v48 =	vimm.s32 $0x1A191817;
	v0 =	vunpack.c.l.s4.s8 v0  }
0xe: {  	v1 =	vunpack.c.l.s4.s8 v1;
	v2 =	vunpack.c.l.s4.s8 v2;
	v52 =	vunpack.c.l.s4.s8 v3  }
0xf: {  	v54 =	vunpack.c.l.s4.s8 v53;
	v57 =	vunpack.c.l.s4.s8 v56;
	v18 =	vmul.u32 $0x80, v8  }
0x10: {  	v5 =	vunpack.c.l.s4.s8 v5;
	v6 =	vsel vm14, $0x80, v6;
	v7 =	vunpack.c.l.s4.s8 v7  }
0x11: {  	v9 =	vunpack.c.l.s4.s8 v9;
	v10 =	vsel vm14, $0x180, v10;
	v12 =	vunpack.c.l.s4.s8 v12  }
0x12: {  	v21 =	vunpack.c.l.s4.s8 v21;
	v22 =	vsel vm14, $0x200, v22;
	v28 =	vsel vm14, $0x280, v28  }
0x13: {  	v30 =	vsel vm14, $0x780, v30;
	v6 =	vsel vm15, $0x101, v6;
	v10 =	vsel vm15, $0x201, v10  }
0x14: {  	v22 =	vsel vm15, $0x281, v22;
	v30 =	vsel vm15, $0x1, v30;
	v14 =	vunpack.c.0.s8.s32 v0  }
0x15: {  	v0 =	vunpack.c.l.s4.s8 v51;
	v16 =	vunpack.c.0.s8.s32 v1;
	v32 =	vunpack.c.0.s8.s32 v2  }
0x16: {  	v25 =	vunpack.c.0.s8.s32 v52;
	v19 =	vunpack.c.0.s8.s32 v54;
	v20 =	vunpack.c.0.s8.s32 v57  }
0x17: {  	v23 =	vunpack.c.0.s8.s32 v5;
	v5 =	vsel vm13, $0x182, v6;
	v24 =	vunpack.c.0.s8.s32 v7  }
0x18: {  	v33 =	vunpack.c.0.s8.s32 v9;
	v35 =	vsel vm13, $0x282, v10;
	v10 =	vunpack.c.l.s4.s8 v36  }
0x19: {  	v27 =	vunpack.c.0.s8.s32 v12;
	v21 =	vunpack.c.0.s8.s32 v21;
	v22 =	vsel vm13, $0x302, v22  }
0x1a: {  	v30 =	vsel vm13, $0x82, v30;
	v36 =	vimm.s32 $0x1C1B1A19;
	v6 =	vsel vm12, $0x203, v5  }
0x1b: {  	v9 =	vsel vm12, $0x303, v35;
	v22 =	vsel vm12, $0x383, v22;
	v30 =	vsel vm12, $0x103, v30  }
0x1c: {  	v15 =	vunpack.c.0.s8.s32 v0;
	v0 =	vunpack.c.l.s4.s8 v55;
	v59 =	vcombine.low v32, v16  }
0x1d: {  	v4 =	vcombine.low v19, v25;
	v62 =	vsel vm11, $0x284, v6;
	v7 =	vcombine.low v24, v23  }
0x1e: {  	v38 =	vsel vm11, $0x384, v9;
	v9 =	vunpack.c.l.s4.s8 v39;
	v40 =	vunpack.c.0.s8.s32 v10  }
0x1f: {  	v19 =	vcombine.low v25, v19;
	v57 =	vcombine.low v23, v24;
	v30 =	vsel vm11, $0x184, v30  }
0x20: {  	v39 =	vimm.s32 $0x18171615;
	v1 =	vsel vm10, $0x305, v62;
	v62 =	vimm.s32 $0x50F  }
0x21: {  	v30 =	vsel vm10, $0x205, v30;
	v58 =	vcombine.low v15, v14;
	v0 =	vunpack.c.0.s8.s32 v0  }
0x22: {  	v60 =	vand.u32 $0xF, v4;
	v4 =	vmul.u32 $0x81, v8;
	v8 =	vimm.s32 $0x8F  }
0x23: {  	v3 =	vand.u32 $0xF, v59;
	v1 =	vsel vm9, $0x386, v1;
	v8 =	vsel vm14, $0x100, v8  }
0x24: {  	v31 =	vand.u32 $0xF, v7;
	v1 =	vsel vm8, $0x407, v1;
	v8 =	vsel vm15, $0x181, v8  }
0x25: {  	v17 =	vunpack.c.0.s8.s32 v9;
	v1 =	vsel vm7, $0x488, v1;
	v8 =	vsel vm13, $0x202, v8  }
0x26: {  	v44 =	vcombine.low v40, v33;
	v1 =	vsel vm6, $0x509, v1;
	v8 =	vsel vm12, $0x283, v8  }
0x27: {  	v15 =	vcombine.low v14, v15;
	v1 =	vsel vm5, $0x58A, v1;
	v8 =	vsel vm11, $0x304, v8  }
0x28: {  	v54 =	vand.u32 $0xF, v57;
	v1 =	vsel vm4, $0x60B, v1;
	v8 =	vsel vm10, $0x385, v8  }
0x29: {  	v30 =	vsel vm9, $0x286, v30;
	v1 =	vsel vm3, $0x68C, v1;
	v11 =	vsel vm9, $0x406, v8  }
0x2a: {  	v30 =	vsel vm8, $0x307, v30;
	v1 =	vsel vm2, $0x70D, v1;
	v63 =	vsel vm8, $0x487, v11  }
0x2b: {  	v2 =	vand.u32 $0xF, v58;
	v59 =	vsel vm1, $0x78E, v1;
	v1 =	vsel vm7, $0x508, v63  }
0x2c: {  	v61 =	vcombine.low v20, v0;
	v12 =	vcombine.low v27, v17;
	v1 =	vsel vm6, $0x589, v1  }
0x2d: {  	v45 =	vand.u32 $0xF, v44;
	v37 =	vsel vm5, $0x60A, v1;
	v1 =	vsel vm10, $0x405, v38  }
0x2e: {  	v14 =	vand.u32 $0xF, v15;
	v0 =	vcombine.low v0, v20;
	v13 =	vsel vm9, $0x486, v1  }
0x2f: {  	v58 =	vimm.s32 $0x48F;
	v27 =	vcombine.low v17, v27;
	v42 =	vsel vm8, $0x507, v13  }
0x30: {  	v30 =	vsel vm7, $0x388, v30;
	v44 =	vimm.s32 $0x1E1D1C1B;
	v43 =	vsel vm7, $0x588, v42  }
0x31: {  	v25 =	vmovc v45;
	v30 =	vsel vm6, $0x409, v30;
	v45 =	vimm.s32 $0x1211101F;
	v9 =	vsel vm6, $0x609, v43  }
0x32: {  	v5 =	vand.u32 $0xF, v61;
	v46 =	vand.u32 $0xF, v12;
	v13 =	vsel vm5, $0x68A, v9  }
0x33: {  	v52 =	vand.u32 $0xF, v0;
	v30 =	vsel vm5, $0x48A, v30;
	v13 =	vsel vm4, $0x70B, v13  }
0x34: {  	v15 =	vmovc v2;
	v2 =	vunpack.c.0.s8.s32 v39;
	v12 =	vsel vm3, $0x78C, v13;
	v13 =	vimm.s32 $0xFEDCBA98  }
0x35: {  	v6 =	vmovc v5;
	v30 =	vsel vm4, $0x50B, v30;
	v5 =	vunpack.c.0.s8.s32 v36;
	v13 =	vunpack.c.l.s4.s8 v13  }
0x36: {  	v36 =	vimm.s32 $0x80F;
	v11 =	vimm.s32 $0x68F;
	v38 =	vimm.s32 $0x14131211  }
0x37: {  	v41 =	vsel vm4, $0x68B, v37;
	v1 =	vcombine.low v33, v40;
	v13 =	vunpack.c.0.s8.s32 v13  }
0x38: {  	v33 =	vsel vm3, $0x58C, v30;
	v37 =	vimm.s32 $0x101F1E1D;
	v8 =	vunpack.c.0.s8.s32 v38  }
0x39: {  	v40 =	vimm.s32 $0x1D1C1B1A;
	v38 =	vimm.s32 $0x90F;
	v13 =	vand.u32 $0xF, v13  }
0x3a: {  	v29 =	vcombine.low v13, v21;
	v21 =	vsel vm11, $0x404, v22;
	v22 =	vsel vm15, $0x301, v28  }
0x3b: {  	v10 =	vsel vm3, $0x70C, v41;
	v28 =	vimm.s32 $0x28F;
	v22 =	vsel vm13, $0x382, v22  }
0x3c: {  	v21 =	vsel vm10, $0x485, v21;
	v28 =	vsel vm14, $0x300, v28;
	v22 =	vsel vm12, $0x403, v22  }
0x3d: {  	v21 =	vsel vm9, $0x506, v21;
	v28 =	vsel vm15, $0x381, v28;
	v22 =	vsel vm11, $0x484, v22  }
0x3e: {  	v21 =	vsel vm8, $0x587, v21;
	v28 =	vsel vm13, $0x402, v28;
	v22 =	vsel vm10, $0x505, v22  }
0x3f: {  	v21 =	vsel vm7, $0x608, v21;
	v28 =	vsel vm12, $0x483, v28;
	v22 =	vsel vm9, $0x586, v22  }
0x40: {  	v21 =	vsel vm6, $0x689, v21;
	v28 =	vsel vm11, $0x504, v28;
	v22 =	vsel vm8, $0x607, v22  }
0x41: {  	v21 =	vsel vm5, $0x70A, v21;
	v28 =	vsel vm10, $0x585, v28;
	v22 =	vsel vm7, $0x688, v22  }
0x42: {  	v21 =	vsel vm4, $0x78B, v21;
	v28 =	vsel vm9, $0x606, v28;
	v22 =	vsel vm6, $0x709, v22  }
0x43: {  	v21 =	vsel vm3, $0xC, v21;
	v28 =	vsel vm8, $0x687, v28;
	v22 =	vsel vm5, $0x78A, v22  }
0x44: {  	v21 =	vsel vm2, $0x8D, v21;
	v28 =	vsel vm7, $0x708, v28;
	v22 =	vsel vm4, $0xB, v22  }
0x45: {  	[tilespmem:$0x1FDA0] =	vst v4;
	v4 =	vsel vm1, $0x10E, v21;
	v21 =	vsel vm3, $0x8C, v22;
	v22 =	vsel vm6, $0x789, v28  }
0x46: {  	v35 =	vsel vm2, $0x60D, v33;
	v7 =	vunpack.c.0.s8.s32 v37;
	v22 =	vsel vm5, $0xA, v22  }
0x47: {  	v28 =	vimm.s32 $0x30F;
	v21 =	vsel vm2, $0x10D, v21;
	v22 =	vsel vm4, $0x8B, v22  }
0x48: {  	v47 =	vsel vm1, $0x18E, v21;
	v21 =	vsel vm3, $0x10C, v22;
	v22 =	vsel vm14, $0x380, v28  }
0x49: {  	v41 =	vimm.s32 $0x11101F1E;
	v21 =	vsel vm2, $0x18D, v21;
	v22 =	vsel vm15, $0x401, v22  }
0x4a: {  	v28 =	vimm.s32 $0x38F;
	v22 =	vsel vm13, $0x482, v22;
	v49 =	vsel vm1, $0x20E, v21  }
0x4b: {  	v21 =	vsel vm12, $0x503, v22;
	v22 =	vsel vm14, $0x400, v28;
	v28 =	vimm.s32 $0x40F  }
0x4c: {  	v33 =	vimm.s32 $0x17161514;
	v22 =	vsel vm15, $0x481, v22;
	v28 =	vsel vm14, $0x480, v28  }
0x4d: {  	v37 =	vimm.s32 $0x88F;
	v22 =	vsel vm13, $0x502, v22;
	v28 =	vsel vm15, $0x501, v28  }
0x4e: {  	v10 =	vsel vm2, $0x78D, v10;
	v22 =	vsel vm12, $0x583, v22;
	v28 =	vsel vm13, $0x582, v28  }
0x4f: {  	v42 =	vimm.s32 $0x15141312;
	v22 =	vsel vm11, $0x604, v22;
	v28 =	vsel vm12, $0x603, v28  }
0x50: {  	v26 =	vsel vm1, $0xE, v10;
	v22 =	vsel vm10, $0x685, v22;
	v28 =	vsel vm11, $0x684, v28  }
0x51: {  	v10 =	vimm.s32 $0x60F;
	v22 =	vsel vm9, $0x706, v22;
	v28 =	vsel vm10, $0x705, v28  }
0x52: {  	v43 =	vimm.s32 $0x19181716;
	v22 =	vsel vm8, $0x787, v22;
	v28 =	vsel vm9, $0x786, v28  }
0x53: {  	v12 =	vsel vm2, $0xD, v12;
	v22 =	vsel vm7, $0x8, v22;
	v28 =	vsel vm8, $0x7, v28  }
0x54: {  	v12 =	vsel vm1, $0x8E, v12;
	v22 =	vsel vm6, $0x89, v22;
	v28 =	vsel vm7, $0x88, v28  }
0x55: {  	v13 =	vlaneseq.u32;
	v22 =	vsel vm5, $0x10A, v22;
	v28 =	vsel vm6, $0x109, v28  }
0x56: {  	[tilespmem:$0x1FDB0] =	vst v4;
	v4 =	vcombine.low v16, v32;
	v22 =	vsel vm4, $0x18B, v22;
	v28 =	vsel vm5, $0x18A, v28  }
0x57: {  	v22 =	vsel vm3, $0x20C, v22;
	v23 =	vsel vm4, $0x20B, v28;
	v28 =	vsel vm14, $0x500, v58  }
0x58: {  	v16 =	vmovc v3;
	v3 =	vunpack.c.0.s8.s32 v40;
	v56 =	vsel vm2, $0x28D, v22;
	v61 =	vsel vm15, $0x581, v28  }
0x59: {  	v53 =	vsel vm1, $0x30E, v56;
	v56 =	vand.u32 $0xF, v1;
	v1 =	vsel vm14, $0x580, v62  }
0x5a: {  	v32 =	vimm.s32 $0x13121110;
	v0 =	vsel vm13, $0x602, v61;
	v1 =	vsel vm15, $0x601, v1  }
0x5b: {  	v55 =	vand.u32 $0xF, v4;
	v0 =	vsel vm12, $0x683, v0;
	v1 =	vsel vm13, $0x682, v1  }
0x5c: {  	v4 =	vunpack.c.0.s8.s32 v41;
	v0 =	vsel vm11, $0x704, v0;
	v1 =	vsel vm12, $0x703, v1  }
0x5d: {  	v21 =	vsel vm11, $0x584, v21;
	v0 =	vsel vm10, $0x785, v0;
	v1 =	vsel vm11, $0x784, v1  }
0x5e: {  	v21 =	vsel vm10, $0x605, v21;
	v0 =	vsel vm9, $0x6, v0;
	v1 =	vsel vm10, $0x5, v1  }
0x5f: {  	v21 =	vsel vm9, $0x686, v21;
	v0 =	vsel vm8, $0x87, v0;
	v1 =	vsel vm9, $0x86, v1  }
0x60: {  	v21 =	vsel vm8, $0x707, v21;
	v0 =	vsel vm7, $0x108, v0;
	v1 =	vsel vm8, $0x107, v1  }
0x61: {  	v28 =	vimm.s32 $0x58F;
	v0 =	vsel vm6, $0x189, v0;
	v1 =	vsel vm7, $0x188, v1  }
0x62: {  	v28 =	vsel vm14, $0x600, v28;
	v0 =	vsel vm5, $0x20A, v0;
	v1 =	vsel vm6, $0x209, v1  }
0x63: {  	v28 =	vsel vm15, $0x681, v28;
	v0 =	vsel vm4, $0x28B, v0;
	v1 =	vsel vm5, $0x28A, v1  }
0x64: {  	v28 =	vsel vm13, $0x702, v28;
	v0 =	vsel vm3, $0x30C, v0;
	v1 =	vsel vm4, $0x30B, v1  }
0x65: {  	v28 =	vsel vm12, $0x783, v28;
	v0 =	vsel vm2, $0x38D, v0;
	v63 =	vsel vm3, $0x38C, v1  }
0x66: {  	v28 =	vsel vm11, $0x4, v28;
	v57 =	vsel vm1, $0x40E, v0;
	v0 =	vsel vm2, $0x40D, v63  }
0x67: {  	v28 =	vsel vm10, $0x85, v28;
	v58 =	vsel vm1, $0x48E, v0;
	v0 =	vsel vm14, $0x680, v10  }
0x68: {  	v21 =	vsel vm7, $0x788, v21;
	v28 =	vsel vm9, $0x106, v28;
	v0 =	vsel vm15, $0x701, v0  }
0x69: {  	v21 =	vsel vm6, $0x9, v21;
	v28 =	vsel vm8, $0x187, v28;
	v0 =	vsel vm13, $0x782, v0  }
0x6a: {  	v21 =	vsel vm5, $0x8A, v21;
	v28 =	vsel vm7, $0x208, v28;
	v0 =	vsel vm12, $0x3, v0  }
0x6b: {  	v21 =	vsel vm4, $0x10B, v21;
	v28 =	vsel vm6, $0x289, v28;
	v0 =	vsel vm11, $0x84, v0  }
0x6c: {  	v21 =	vsel vm3, $0x18C, v21;
	v28 =	vsel vm5, $0x30A, v28;
	v0 =	vsel vm10, $0x105, v0  }
0x6d: {  	v21 =	vsel vm2, $0x20D, v21;
	v28 =	vsel vm4, $0x38B, v28;
	v0 =	vsel vm9, $0x186, v0  }
0x6e: {  	v51 =	vsel vm1, $0x28E, v21;
	v9 =	vsel vm3, $0x40C, v28;
	v0 =	vsel vm8, $0x207, v0  }
0x6f: {  	v24 =	vsel vm3, $0x28C, v23;
	v1 =	vsel vm2, $0x48D, v9;
	v0 =	vsel vm7, $0x288, v0  }
0x70: {  	v63 =	vsel vm1, $0x50E, v1;
	v1 =	vsel vm14, $0x700, v11;
	v0 =	vsel vm6, $0x309, v0  }
0x71: {  	[tilespmem:$0x1FD90] =	vst v60;
	v60 =	vsel vm2, $0x30D, v24;
	v1 =	vsel vm15, $0x781, v1;
	v0 =	vsel vm5, $0x38A, v0  }
0x72: {  	v61 =	vimm.s32 $0x1F1E1D1C;
	v1 =	vsel vm13, $0x2, v1;
	v0 =	vsel vm4, $0x40B, v0  }
0x73: {  	v28 =	vand.u32 $0xF, v27;
	v1 =	vsel vm12, $0x83, v1;
	v0 =	vsel vm3, $0x48C, v0  }
0x74: {  	v27 =	vmovc v47;
	v47 =	vimm.s32 $0x16151413;
	v1 =	vsel vm11, $0x104, v1;
	v0 =	vsel vm2, $0x50D, v0  }
0x75: {  	v1 =	vsel vm10, $0x185, v1;
	v17 =	vsel vm1, $0x58E, v0;
	v0 =	vunpack.c.0.s8.s32 v47  }
0x76: {  	[tilespmem:$0x1FDC0] =	vst v55;
	v55 =	vsel vm1, $0x38E, v60;
	v62 =	vunpack.c.0.s8.s32 v61;
	v1 =	vsel vm9, $0x206, v1  }
0x77: {  	v60 =	vsel vm1, $0x68E, v35;
	v1 =	vsel vm8, $0x287, v1;
	[tilespmem:$0x1FDE0] =	vst v0;
	v0 =	vunpack.c.0.s8.s32 v48  }
0x78: {  	v23 =	vmovc v46;
	v46 =	vunpack.c.0.s8.s32 v45;
	v61 =	vimm.s32 $0xB8F;
	[tilespmem:$0x1FE00] =	vst v62;
	v1 =	vsel vm7, $0x308, v1  }
0x79: {  	v62 =	vimm.s32 $0xC0F;
	v1 =	vsel vm6, $0x389, v1;
	[tilespmem:$0x1FDF0] =	vst v0;
	v0 =	vunpack.c.0.s8.s32 v32  }
0x7a: {  	v9 =	vunpack.c.0.s8.s32 v42;
	v42 =	vimm.s32 $0x98F;
	v1 =	vsel vm5, $0x40A, v1  }
0x7b: {  	v11 =	vunpack.c.0.s8.s32 v43;
	v1 =	vsel vm4, $0x48B, v1;
	[tilespmem:$0x1FE10] =	vst v0;
	v0 =	vunpack.c.0.s8.s32 v33  }
0x7c: {  	v10 =	vunpack.c.0.s8.s32 v44;
	v43 =	vimm.s32 $0xA0F;
	v1 =	vsel vm3, $0x50C, v1  }
0x7d: {  	v44 =	vimm.s32 $0xA8F;
	v34 =	vsel vm2, $0x58D, v1;
	[tilespmem:$0x1FE20] =	vst v0;
	v0 =	vsel vm14, $0x880, v36  }
0x7e: {  	v1 =	vsel vm14, $0x900, v37;
	v37 =	vimm.s32 $0xC8F;
	v0 =	vsel vm15, $0x901, v0  }
0x7f: {  	v21 =	vsel vm1, $0x60E, v34;
	v1 =	vsel vm15, $0x981, v1;
	v0 =	vsel vm13, $0x982, v0  }
0x80: {  	v34 =	vimm.s32 $0x1B1A1918;
	v1 =	vsel vm13, $0xA02, v1;
	v0 =	vsel vm12, $0xA03, v0  }
0x81: {  	v35 =	vunpack.c.0.s8.s32 v34;
	v1 =	vsel vm12, $0xA83, v1;
	v0 =	vsel vm11, $0xA84, v0  }
0x82: {  	v48 =	vimm.s32 $0xB0F;
	v1 =	vsel vm11, $0xB04, v1;
	v0 =	vsel vm10, $0xB05, v0  }
0x83: {  	v1 =	vsel vm10, $0xB85, v1;
	v32 =	vor.u32 $0x10, v13;
	v0 =	vsel vm9, $0xB86, v0  }
0x84: {  	v1 =	vsel vm9, $0xC06, v1;
	v33 =	vsel vm14, $0x980, v38;
	v0 =	vsel vm8, $0xC07, v0  }
0x85: {  	v1 =	vsel vm8, $0xC87, v1;
	v38 =	vimm.s32 $0xD0F;
	v0 =	vsel vm7, $0xC88, v0  }
0x86: {  	v33 =	vsel vm15, $0xA01, v33;
	v1 =	vsel vm7, $0xD08, v1;
	v0 =	vsel vm6, $0xD09, v0  }
0x87: {  	v33 =	vsel vm13, $0xA82, v33;
	v1 =	vsel vm6, $0xD89, v1;
	v0 =	vsel vm5, $0xD8A, v0  }
0x88: {  	v33 =	vsel vm12, $0xB03, v33;
	v1 =	vsel vm5, $0xE0A, v1;
	v0 =	vsel vm4, $0xE0B, v0  }
0x89: {  	v33 =	vsel vm11, $0xB84, v33;
	v1 =	vsel vm4, $0xE8B, v1;
	v0 =	vsel vm3, $0xE8C, v0  }
0x8a: {  	v33 =	vsel vm10, $0xC05, v33;
	v1 =	vsel vm3, $0xF0C, v1;
	v0 =	vsel vm2, $0xF0D, v0  }
0x8b: {  	v33 =	vsel vm9, $0xC86, v33;
	v39 =	vsel vm2, $0xF8D, v1;
	v0 =	vsel vm1, $0xF8E, v0  }
0x8c: {  	v1 =	vsel vm14, $0xA80, v43;
	v43 =	vimm.s32 $0xE8F;
	[tilespmem:$0x1FE40] =	vst v0;
	v0 =	vsel vm1, $0x80E, v39  }
0x8d: {  	v33 =	vsel vm8, $0xD07, v33;
	v1 =	vsel vm15, $0xB01, v1;
	[tilespmem:$0x1FE50] =	vst v0;
	v0 =	vsel vm14, $0xA00, v42  }
0x8e: {  	v33 =	vsel vm7, $0xD88, v33;
	v1 =	vsel vm13, $0xB82, v1;
	v0 =	vsel vm15, $0xA81, v0  }
0x8f: {  	v33 =	vsel vm6, $0xE09, v33;
	v1 =	vsel vm12, $0xC03, v1;
	v0 =	vsel vm13, $0xB02, v0  }
0x90: {  	v33 =	vsel vm5, $0xE8A, v33;
	v1 =	vsel vm11, $0xC84, v1;
	v0 =	vsel vm12, $0xB83, v0  }
0x91: {  	v33 =	vsel vm4, $0xF0B, v33;
	v1 =	vsel vm10, $0xD05, v1;
	v0 =	vsel vm11, $0xC04, v0  }
0x92: {  	v33 =	vsel vm3, $0xF8C, v33;
	v1 =	vsel vm9, $0xD86, v1;
	v0 =	vsel vm10, $0xC85, v0  }
0x93: {  	v40 =	vsel vm2, $0x80D, v33;
	v33 =	vsel vm14, $0xB00, v44;
	v0 =	vsel vm9, $0xD06, v0  }
0x94: {  	v1 =	vsel vm8, $0xE07, v1;
	v44 =	vimm.s32 $0xF0F;
	v0 =	vsel vm8, $0xD87, v0  }
0x95: {  	v41 =	vsel vm1, $0x88E, v40;
	v33 =	vsel vm15, $0xB81, v33;
	v0 =	vsel vm7, $0xE08, v0  }
0x96: {  	v1 =	vsel vm7, $0xE88, v1;
	v33 =	vsel vm13, $0xC02, v33;
	v0 =	vsel vm6, $0xE89, v0  }
0x97: {  	v1 =	vsel vm6, $0xF09, v1;
	v33 =	vsel vm12, $0xC83, v33;
	v0 =	vsel vm5, $0xF0A, v0  }
0x98: {  	v1 =	vsel vm5, $0xF8A, v1;
	v33 =	vsel vm11, $0xD04, v33;
	v0 =	vsel vm4, $0xF8B, v0  }
0x99: {  	v1 =	vsel vm4, $0x80B, v1;
	v39 =	vimm.s32 $0xD8F;
	v0 =	vsel vm3, $0x80C, v0  }
0x9a: {  	v33 =	vsel vm10, $0xD85, v33;
	v1 =	vsel vm3, $0x88C, v1;
	v0 =	vsel vm2, $0x88D, v0  }
0x9b: {  	v42 =	vimm.s32 $0xE0F;
	v45 =	vsel vm2, $0x90D, v1;
	v0 =	vsel vm1, $0x90E, v0  }
0x9c: {  	v33 =	vsel vm9, $0xE06, v33;
	v1 =	vsel vm14, $0xC00, v61;
	[tilespmem:$0x1FE70] =	vst v0;
	v0 =	vsel vm1, $0x98E, v45  }
0x9d: {  	v61 =	vsel vm0, v4, v3;
	v33 =	vsel vm8, $0xE87, v33;
	[tilespmem:$0x1FE80] =	vst v0;
	v0 =	vsel vm14, $0xB80, v48  }
0x9e: {  	v1 =	vsel vm15, $0xC81, v1;
	v33 =	vsel vm7, $0xF08, v33;
	v0 =	vsel vm15, $0xC01, v0  }
0x9f: {  	v1 =	vsel vm13, $0xD02, v1;
	v33 =	vsel vm6, $0xF89, v33;
	v0 =	vsel vm13, $0xC82, v0  }
0xa0: {  	v1 =	vsel vm12, $0xD83, v1;
	v33 =	vsel vm5, $0x80A, v33;
	v0 =	vsel vm12, $0xD03, v0  }
0xa1: {  	v1 =	vsel vm11, $0xE04, v1;
	v33 =	vsel vm4, $0x88B, v33;
	v0 =	vsel vm11, $0xD84, v0  }
0xa2: {  	v1 =	vsel vm10, $0xE85, v1;
	v33 =	vsel vm3, $0x90C, v33;
	v0 =	vsel vm10, $0xE05, v0  }
0xa3: {  	[tilespmem:$0x1FDD0] =	vst v46;
	v1 =	vsel vm9, $0xF06, v1;
	v46 =	vsel vm2, $0x98D, v33;
	v0 =	vsel vm9, $0xE86, v0  }
0xa4: {  	v33 =	vsel vm14, $0xC80, v62;
	v1 =	vsel vm8, $0xF87, v1;
	v0 =	vsel vm8, $0xF07, v0  }
0xa5: {  	v62 =	vsel vm0, v11, v9;
	v33 =	vsel vm15, $0xD01, v33;
	v0 =	vsel vm7, $0xF88, v0  }
0xa6: {  	v1 =	vsel vm7, $0x808, v1;
	v33 =	vsel vm13, $0xD82, v33;
	v0 =	vsel vm6, $0x809, v0  }
0xa7: {  	v1 =	vsel vm6, $0x889, v1;
	v33 =	vsel vm12, $0xE03, v33;
	v0 =	vsel vm5, $0x88A, v0  }
0xa8: {  	v1 =	vsel vm5, $0x90A, v1;
	v33 =	vsel vm11, $0xE84, v33;
	v0 =	vsel vm4, $0x90B, v0  }
0xa9: {  	v1 =	vsel vm4, $0x98B, v1;
	v33 =	vsel vm10, $0xF05, v33;
	v0 =	vsel vm3, $0x98C, v0  }
0xaa: {  	v1 =	vsel vm3, $0xA0C, v1;
	v33 =	vsel vm9, $0xF86, v33;
	v0 =	vsel vm2, $0xA0D, v0  }
0xab: {  	v34 =	vsel vm2, $0xA8D, v1;
	v33 =	vsel vm8, $0x807, v33;
	v0 =	vsel vm1, $0xA8E, v0  }
0xac: {  	v47 =	vsel vm1, $0xA0E, v46;
	v33 =	vsel vm7, $0x888, v33;
	[tilespmem:$0x1FEA0] =	vst v0;
	v0 =	vsel vm1, $0xB0E, v34  }
0xad: {  	v13 =	vcombine.low v62, v61;
	v33 =	vsel vm6, $0x909, v33;
	[tilespmem:$0x1FEB0] =	vst v0;
	v0 =	vsel vm14, $0xD00, v37  }
0xae: {  	v1 =	vsel vm14, $0xD80, v38;
	v33 =	vsel vm5, $0x98A, v33;
	v0 =	vsel vm15, $0xD81, v0  }
0xaf: {  	v1 =	vsel vm15, $0xE01, v1;
	v33 =	vsel vm4, $0xA0B, v33;
	v0 =	vsel vm13, $0xE02, v0  }
0xb0: {  	v1 =	vsel vm13, $0xE82, v1;
	v33 =	vsel vm3, $0xA8C, v33;
	v0 =	vsel vm12, $0xE83, v0  }
0xb1: {  	[tilespmem:$0x1FE30] =	vst v35;
	v35 =	vsel vm2, $0xB0D, v33;
	v33 =	vsel vm14, $0xE00, v39;
	v0 =	vsel vm11, $0xF04, v0  }
0xb2: {  	v1 =	vsel vm12, $0xF03, v1;
	v33 =	vsel vm15, $0xE81, v33;
	v0 =	vsel vm10, $0xF85, v0  }
0xb3: {  	v1 =	vsel vm11, $0xF84, v1;
	v33 =	vsel vm13, $0xF02, v33;
	v0 =	vsel vm9, $0x806, v0  }
0xb4: {  	v1 =	vsel vm10, $0x805, v1;
	v33 =	vsel vm12, $0xF83, v33;
	v0 =	vsel vm8, $0x887, v0  }
0xb5: {  	v1 =	vsel vm9, $0x886, v1;
	v33 =	vsel vm11, $0x804, v33;
	v0 =	vsel vm7, $0x908, v0  }
0xb6: {  	v1 =	vsel vm8, $0x907, v1;
	v33 =	vsel vm10, $0x885, v33;
	v0 =	vsel vm6, $0x989, v0  }
0xb7: {  	v36 =	vsel vm1, $0xB8E, v35;
	v33 =	vsel vm9, $0x906, v33;
	v0 =	vsel vm5, $0xA0A, v0  }
0xb8: {  	v1 =	vsel vm7, $0x988, v1;
	v33 =	vsel vm8, $0x987, v33;
	v0 =	vsel vm4, $0xA8B, v0  }
0xb9: {  	[tilespmem:$0x1FE60] =	vst v41;
	v1 =	vsel vm6, $0xA09, v1;
	v33 =	vsel vm7, $0xA08, v33;
	v0 =	vsel vm3, $0xB0C, v0  }
0xba: {  	s0 =	rddreg [dreg:$0x0];
	[tilespmem:$0x1FE90] =	vst v47;
	v1 =	vsel vm5, $0xA8A, v1;
	v33 =	vsel vm6, $0xA89, v33;
	v0 =	vsel vm2, $0xB8D, v0  }
0xbb: {  	s1 =	rddreg [dreg:$0x1];
	s6 =	simm.s32 $0x0;
	[tilespmem:$0x1FEC0] =	vst v36;
	v1 =	vsel vm4, $0xB0B, v1;
	v33 =	vsel vm5, $0xB0A, v33;
	v0 =	vsel vm1, $0xC0E, v0  }
0xbc: {  	[smem:$0x7FF] =	sst s6;
	v47 =	vsel vm0, v7, v5;
	v1 =	vsel vm3, $0xB8C, v1;
	v33 =	vsel vm4, $0xB8B, v33;
	[tilespmem:$0x1FED0] =	vst v0  }
0xbd: {  	s3 =	rddreg [dreg:$0x2];
	v48 =	vsel vm0, v2, v8;
	v40 =	vsel vm2, $0xC0D, v1;
	v33 =	vsel vm3, $0xC0C, v33;
	_ =	strace $0x80000047;
	[tilespmem:$0x1FEE0] =	vst v5  }
0xbe: {  	v1 =	vsel vm14, $0xF00, v43;
	v41 =	vsel vm2, $0xC8D, v33;
	v33 =	vsel vm14, $0xF80, v44;
	[tilespmem:$0x1FEF0] =	vst v7  }
0xbf: {  	v24 =	vmovc v12;
	v12 =	vsel vm1, $0xC8E, v40;
	v33 =	vsel vm15, $0x801, v33;
	v0 =	vsel vm14, $0xE80, v42;
	[tilespmem:$0x1FF00] =	vst v2  }
0xc0: {  	v1 =	vsel vm15, $0xF81, v1;
	v33 =	vsel vm13, $0x882, v33;
	v0 =	vsel vm15, $0xF01, v0;
	[tilespmem:$0x1FF10] =	vst v8  }
0xc1: {  	v1 =	vsel vm13, $0x802, v1;
	v33 =	vsel vm12, $0x903, v33;
	[tilespmem:$0x1FF20] =	vst v3;
	v0 =	vsel vm13, $0xF82, v0  }
0xc2: {  	v1 =	vsel vm12, $0x883, v1;
	v33 =	vsel vm11, $0x984, v33;
	[tilespmem:$0x1FF30] =	vst v4;
	v0 =	vsel vm12, $0x803, v0  }
0xc3: {  	s2 =	srdreg.scid;
	s11 =	simm.s32 $0x400;
	s12 =	simm.s32 $0x8000;
	v1 =	vsel vm11, $0x904, v1;
	v33 =	vsel vm10, $0xA05, v33;
	[tilespmem:$0x1FF40] =	vst v47;
	v0 =	vsel vm11, $0x884, v0  }
0xc4: {  	s4 =	stileid.u32;
	s15 =	simm.s32 $0x6400;
	s16 =	simm.s32 $0xA400;
	v1 =	vsel vm10, $0x985, v1;
	v33 =	vsel vm9, $0xA86, v33;
	[tilespmem:$0x1FF50] =	vst v48;
	v0 =	vsel vm10, $0x905, v0  }
0xc5: {  	s14 =	simm.s32 $0x80;
	s18 =	simm.s32 $0xE400;
	s20 =	simm.s32 $0x12400;
	v1 =	vsel vm9, $0xA06, v1;
	v33 =	vsel vm8, $0xB07, v33;
	[tilespmem:$0x1FF60] =	vst v61;
	v0 =	vsel vm9, $0x986, v0  }
0xc6: {  	s21 =	simm.s32 $0x2;
	s22 =	simm.s32 $0x16400;
	s23 =	simm.s32 $0x3;
	v1 =	vsel vm8, $0xA87, v1;
	v33 =	vsel vm7, $0xB88, v33;
	[tilespmem:$0x1FF70] =	vst v62;
	v0 =	vsel vm8, $0xA07, v0  }
0xc7: {  	s24 =	simm.s32 $0x17400;
	s28 =	simm.s32 $0x5;
	s29 =	simm.s32 $0x19400;
	v20 =	vsel vm1, $0xD0E, v41;
	v33 =	vsel vm6, $0xC09, v33;
	[tilespmem:$0x1FF80] =	vst v9;
	v0 =	vsel vm7, $0xA88, v0  }
0xc8: {  	s31 =	simm.s32 $0x7;
	s2 =	sand.u32 $0x1, s2;
	s4 =	sshll.u32 s4, $0xB;
	v1 =	vsel vm7, $0xB08, v1;
	v33 =	vsel vm5, $0xC8A, v33;
	[tilespmem:$0x1FF90] =	vst v10;
	v0 =	vsel vm6, $0xB09, v0  }
0xc9: {  	s17 =	simm.s32 $0x0;
	s7 =	sadd.s32 $0x4000, s3;
	s5 =	sshll.u32 s2, $0xA;
	v1 =	vsel vm6, $0xB89, v1;
	v33 =	vsel vm4, $0xD0B, v33;
	[tilespmem:$0x1FFA0] =	vst v11;
	v0 =	vsel vm5, $0xB8A, v0  }
0xca: {  	s8 =	sadd.s32 $0x8000, s3;
	s2 =	ssub.s32 $0x2, s2;
	s5 =	sor.u32 s5, s4;
	v1 =	vsel vm5, $0xC0A, v1;
	v33 =	vsel vm3, $0xD8C, v33;
	[tilespmem:$0x1FFB0] =	vst v12;
	v0 =	vsel vm4, $0xC0B, v0  }
0xcb: {  	s9 =	sadd.s32 $0xC000, s3;
	s25 =	sshrl.u32 s2, $0x1;
	s26 =	sshrl.u32 s5, $0x3;
	v1 =	vsel vm4, $0xC8B, v1;
	v46 =	vsel vm2, $0xE0D, v33;
	[tilespmem:$0x1FFE0] =	vst v13;
	v0 =	vsel vm3, $0xC8C, v0  }
0xcc: {  	s2 =	ssub.s32 s2, s25;
	s25 =	simm.s32 $0x4;
	s1 =	sadd.s32 s1, s26;
	v1 =	vsel vm3, $0xD0C, v1;
	v35 =	vsel vm1, $0xE8E, v46;
	[tilespmem:$0x1FFF0] =	vst v20;
	v0 =	vsel vm2, $0xD0D, v0  }
0xcd: {  	s30 =	smax.u32 s2, $0x1;
	s26 =	simm.s32 $0x18400;
	v50 =	vand.u32 $0xF, v19;
	v45 =	vsel vm2, $0xD8D, v1;
	[dreg:$0x4] =	wrdreg s1;
	[tilespmem:$0x1FFD0] =	vst v35;
	v19 =	vsel vm1, $0xD8E, v0  }
0xce: {  	s2 =	simm.s32 $0x8;
	v38 =	vcombine.low v48, v47;
	v34 =	vlaneseq.u32;
	v22 =	vsel vm1, $0xE0E, v45;
	[dreg:$0x5] =	wrdreg s30;
	s1 =	simm.s32 $0x9;
	[tilespmem:$0x1FFC0] =	vst v19  }
.LBB2_1:
0xcf: {  	s4 =	simm.s32 $0x0;
	s6 =	rddreg [dreg:$0x4];
	s13 =	simm.s32 $0x1  }
0xd0: {  	[tilespmem:s4], [sflag:$0x1] =	stream.strided.gather [hbm4b:s6+s11], $0x6400, s12, s11, $0x38;
	[tilespmem:$0x1A400] =	vst v63  }
0xd1: {  	_ =	swait.ge [sflag:s13], $0x6400  }
0xd2: {  	[sflag:s13] =	ssyncset.done $0x0  }
0xd3: {  	[sflag:s13] =	ssyncadd.s32 $0xFFFF9C00  }
0xd4: {  	[tilespmem:s15], [sflag:$0x2] =	stream.indirect.gather [hbm4b:s0+s14], $0x80, s4, s14, $0xb8;
	[tilespmem:$0x1A400] =	vst v63  }
0xd5: {  	_ = 	snop  }
0xd6: {  	[tilespmem:s16], [sflag:$0x3] =	stream.indirect.gather [hbm4b:s0+s14], $0x80, s14, s14, $0xb8;
	[tilespmem:$0x1A400] =	vst v63  }
0xd7: {  	s19 =	simm.s32 $0x100  }
0xd8: {  	[tilespmem:s18], [sflag:$0x4] =	stream.indirect.gather [hbm4b:s0+s14], $0x80, s19, s14, $0xb8;
	[tilespmem:$0x1A400] =	vst v63  }
0xd9: {  	s30 =	simm.s32 $0x180;
	s19 =	simm.s32 $0x0  }
0xda: {  	[tilespmem:s20], [sflag:$0x5] =	stream.indirect.gather [hbm4b:s0+s14], $0x80, s30, s14, $0xb8;
	[tilespmem:$0x1A400] =	vst v63  }
.LBB2_2:
0xdb: {  	_ =	swait.ge [sflag:s21], $0x4000  }
0xdc: {  	p0 =	seq.s32 s19, $0x0;
	[sflag:s21] =	ssyncset.done $0x0  }
0xdd: {  	s6 =	simm.s32 @!p0 $0x6;
	[sflag:s21] =	ssyncadd.s32 $0xFFFFC000  }
0xde: {  	_ =	swait.ge @!p0 [sflag:s6], $0x1000  }
0xdf: {  	[sflag:s6] =	ssyncset.done @!p0 $0x0  }
0xe0: {  	s4 =	sshll.u32 s19, $0xB;
	[sflag:s6] =	ssyncadd.s32 @!p0 $0xFFFFF000;
	s6 =	simm.s32 $0x0  }
.LBB2_3:
0xe1: {  	v0 =	vmov s6  }
0xe2: {  	v0 =	vshll.u32 v0, $0x7  }
0xe3: {  	v2 =	vld [tilespmem:$0x1FD90];
	v1 =	vor.u32 v18, v0  }
0xe4: {  	v5 =	vld [tilespmem:$0x1FDA0];
	v0 =	vor.u32 v34, v1  }
0xe5: {  	v33 =	vor.u32 v15, v1  }
0xe6: {  	v62 =	vor.u32 v16, v1  }
0xe7: {  	v36 =	vor.u32 v6, v1  }
0xe8: {  	v35 =	vor.u32 v2, v1;
	v2 =	vld [tilespmem:$0x1FDB0]  }
0xe9: {  	v40 =	vor.u32 s6, v5;
	v0 =	vld.idx.msk [tilespmem:v0+s15+$0x0], $0xffff  }
0xea: {  	v33 =	vld.idx.msk [tilespmem:v33+s15+$0x0], $0xffff  }
0xeb: {  	v34 =	vld.idx.msk [tilespmem:v62+s15+$0x0], $0xffff  }
0xec: {  	v42 =	vor.u32 s6, v59;
	v41 =	vor.u32 v31, v1;
	v36 =	vld.idx.msk [tilespmem:v36+s15+$0x0], $0xffff  }
0xed: {  	v44 =	vor.u32 s6, v26;
	v43 =	vor.u32 v25, v1;
	v11 =	vor.u32 s6, v2;
	v2 =	vld [tilespmem:$0x1FDC0]  }
0xee: {  	v9 =	vor.u32 s6, v24;
	v35 =	vld.idx.msk [tilespmem:v35+s15+$0x0], $0xffff;
	[tilespmem:v40+s22+$0x0] =	vst.idx.msk $0xffff, v0;
	v0 =	vor.u32 v23, v1  }
0xef: {  	v10 =	vor.u32 v29, v1  }
0xf0: {  	v12 =	vld [tilespmem:$0x1FE30]  }
0xf1: {  	v61 =	vor.u32 s6, v27;
	v48 =	vor.u32 v14, v1;
	v40 =	vld.idx.msk [tilespmem:v41+s15+$0x0], $0xffff;
	[tilespmem:v42+s22+$0x0] =	vst.idx.msk $0xffff, v33  }
0xf2: {  	v42 =	vld.idx.msk [tilespmem:v43+s15+$0x0], $0xffff;
	[tilespmem:v44+s22+$0x0] =	vst.idx.msk $0xffff, v34;
	v62 =	vor.u32 v2, v1  }
0xf3: {  	v0 =	vld.idx.msk [tilespmem:v0+s15+$0x0], $0xffff;
	[tilespmem:v9+s22+$0x0] =	vst.idx.msk $0xffff, v35;
	v9 =	vor.u32 s6, v49  }
0xf4: {  	v33 =	vld.idx.msk [tilespmem:v10+s15+$0x0], $0xffff;
	[tilespmem:v11+s22+$0x0] =	vst.idx.msk $0xffff, v36;
	v10 =	vor.u32 v50, v1;
	v11 =	vor.u32 s6, v51  }
0xf5: {  	v37 =	vmov v25;
	v25 =	vmov v29;
	v29 =	vld [tilespmem:$0x1FDE0]  }
0xf6: {  	v34 =	vld.idx.msk [tilespmem:v48+s15+$0x0], $0xffff;
	[tilespmem:v61+s22+$0x0] =	vst.idx.msk $0xffff, v40;
	v48 =	vor.u32 v52, v1;
	v61 =	vor.u32 s6, v53  }
0xf7: {  	v35 =	vld.idx.msk [tilespmem:v62+s15+$0x0], $0xffff;
	v62 =	vor.u32 v54, v1  }
0xf8: {  	v20 =	vmovc v16;
	v16 =	vmov v31;
	v31 =	vmov v14;
	v14 =	vld [tilespmem:$0x1FDF0];
	[tilespmem:v9+s22+$0x0] =	vst.idx.msk $0xffff, v42;
	v9 =	vor.u32 s6, v55  }
0xf9: {  	v36 =	vld.idx.msk [tilespmem:v10+s15+$0x0], $0xffff;
	[tilespmem:v11+s22+$0x0] =	vst.idx.msk $0xffff, v0;
	v0 =	vor.u32 v56, v1;
	v10 =	vor.u32 s6, v57  }
0xfa: {  	v19 =	vmovc v15;
	v39 =	vor.u32 s6, v58;
	v15 =	vmovc v22;
	v22 =	vmov v6;
	v6 =	vld [tilespmem:$0x1FE20];
	v11 =	vor.u32 v28, v1  }
0xfb: {  	v40 =	vld.idx.msk [tilespmem:v48+s15+$0x0], $0xffff;
	[tilespmem:v61+s22+$0x0] =	vst.idx.msk $0xffff, v33;
	v48 =	vor.u32 s6, v63  }
0xfc: {  	v41 =	vld.idx.msk [tilespmem:v62+s15+$0x0], $0xffff  }
0xfd: {  	v62 =	vld [tilespmem:$0x1FDD0];
	[tilespmem:v9+s22+$0x0] =	vst.idx.msk $0xffff, v34  }
0xfe: {  	v0 =	vld.idx.msk [tilespmem:v0+s15+$0x0], $0xffff;
	[tilespmem:v10+s22+$0x0] =	vst.idx.msk $0xffff, v35  }
0xff: {  	v35 =	vld.idx.msk [tilespmem:v11+s15+$0x0], $0xffff;
	[tilespmem:v39+s22+$0x0] =	vst.idx.msk $0xffff, v36  }
0x100: {  	[tilespmem:v48+s22+$0x0] =	vst.idx.msk $0xffff, v40;
	v40 =	vld [tilespmem:$0x1FF90]  }
0x101: {  	v30 =	vmov v17;
	v9 =	vor.u32 s6, v17;
	v17 =	vld [tilespmem:$0x1FE00]  }
0x102: {  	v61 =	vmov v63;
	v63 =	vmov v21;
	v10 =	vor.u32 s6, v21;
	v21 =	vld [tilespmem:$0x1FE10];
	_ =	sdelay $0x2  }
0x103: {  	v45 =	vsel vm0, v14, v29;
	v44 =	vsel vm0, v62, v40  }
0x104: {  	v2 =	vcombine.low v45, v44  }
0x105: {  	v3 =	vld [tilespmem:$0x1FF10];
	v47 =	vsel vm0, v12, v6;
	v46 =	vsel vm0, v21, v17  }
0x106: {  	v4 =	vcombine.low v47, v46;
	[tilespmem:$0x1FD50] =	vst v2;
	v42 =	vor.u32 v2, v1;
	v2 =	vld [tilespmem:$0x1FEF0]  }
0x107: {  	v7 =	vld [tilespmem:$0x1FF80];
	[tilespmem:v9+s22+$0x0] =	vst.idx.msk $0xffff, v41  }
0x108: {  	v11 =	vor.u32 s6, v60;
	[tilespmem:$0x1FD60] =	vst v4;
	v43 =	vor.u32 v4, v1;
	v4 =	vor.u32 $0x800, v5;
	v5 =	vld [tilespmem:$0x1FF30]  }
0x109: {  	[tilespmem:v10+s22+$0x0] =	vst.idx.msk $0xffff, v0;
	v0 =	vor.u32 v13, v1  }
0x10a: {  	v8 =	vld [tilespmem:$0x1FFA0]  }
0x10b: {  	v48 =	vsel vm0, v3, v2;
	v3 =	vld [tilespmem:$0x1FF00]  }
0x10c: {  	v2 =	vld [tilespmem:$0x1FEE0]  }
0x10d: {  	[tilespmem:v11+s22+$0x0] =	vst.idx.msk $0xffff, v35;
	v5 =	vsel vm0, v7, v5;
	v7 =	vld [tilespmem:$0x1FF20]  }
0x10e: {  	v36 =	vor.u32 v32, v1;
	v10 =	vld.idx.msk [tilespmem:v0+s15+$0x0], $0xffff  }
0x10f: {  	v41 =	vor.u32 v38, v1;
	v0 =	vld [tilespmem:$0x1FE40];
	_ =	sdelay $0x1  }
0x110: {  	v2 =	vsel vm0, v2, v3  }
0x111: {  	v34 =	vsel vm0, v17, v12;
	v17 =	vld [tilespmem:$0x1FF50];
	v7 =	vsel vm0, v7, v8;
	v9 =	vcombine.low v2, v48  }
0x112: {  	[tilespmem:$0x1FD70] =	vst v4;
	v4 =	vor.u32 s6, v4;
	v39 =	vcombine.low v7, v5;
	v3 =	vld.idx.msk [tilespmem:v36+s15+$0x0], $0xffff  }
0x113: {  	v11 =	vor.u32 s6, v0;
	v8 =	vld.idx.msk [tilespmem:v41+s15+$0x0], $0xffff;
	[tilespmem:$0x1FD80] =	vst v9;
	v9 =	vor.u32 v9, v1  }
0x114: {  	v33 =	vmov v15;
	v35 =	vld [tilespmem:$0x1FE60];
	v15 =	vor.u32 v39, v1  }
0x115: {  	v13 =	vsel vm0, v40, v14;
	v40 =	vmov v16;
	v16 =	vld.idx.msk [tilespmem:v43+s15+$0x0], $0xffff  }
0x116: {  	v43 =	vld [tilespmem:$0x1FE50]  }
0x117: {  	v14 =	vld.idx.msk [tilespmem:v42+s15+$0x0], $0xffff;
	[tilespmem:v4+s22+$0x0] =	vst.idx.msk $0xffff, v3  }
0x118: {  	v4 =	vld.idx.msk [tilespmem:v9+s15+$0x0], $0xffff;
	[tilespmem:v11+s22+$0x0] =	vst.idx.msk $0xffff, v8  }
0x119: {  	v36 =	vsel vm0, v29, v62;
	v11 =	vld.idx.msk [tilespmem:v15+s15+$0x0], $0xffff  }
0x11a: {  	v0 =	vcombine.low v13, v36;
	v15 =	vld [tilespmem:$0x1FE70]  }
0x11b: {  	v42 =	vld [tilespmem:$0x1FF40];
	v43 =	vor.u32 s6, v43;
	v62 =	vsel vm0, v6, v21  }
0x11c: {  	v41 =	vcombine.low v34, v62;
	v3 =	vor.u32 v0, v1  }
0x11d: {  	v9 =	vor.u32 s6, v35  }
0x11e: {  	v6 =	vld [tilespmem:$0x1FF70];
	v8 =	vor.u32 v41, v1  }
0x11f: {  	v62 =	vld [tilespmem:$0x1FF60];
	v15 =	vor.u32 s6, v15  }
0x120: {  	v42 =	vcombine.low v42, v17;
	v17 =	vld [tilespmem:$0x1FE80];
	[tilespmem:v43+s22+$0x0] =	vst.idx.msk $0xffff, v10  }
0x121: {  	v3 =	vld.idx.msk [tilespmem:v3+s15+$0x0], $0xffff  }
0x122: {  	[tilespmem:v9+s22+$0x0] =	vst.idx.msk $0xffff, v14;
	v14 =	vld [tilespmem:$0x1FE90]  }
0x123: {  	v8 =	vld.idx.msk [tilespmem:v8+s15+$0x0], $0xffff  }
0x124: {  	v43 =	vcombine.low v62, v6;
	[tilespmem:v15+s22+$0x0] =	vst.idx.msk $0xffff, v16;
	v16 =	vld [tilespmem:$0x1FEA0]  }
0x125: {  	v17 =	vor.u32 s6, v17;
	v10 =	vor.u32 v42, v1  }
0x126: {  	v44 =	vcombine.low v44, v45;
	v34 =	vor.u32 v43, v1  }
0x127: {  	v12 =	vld [tilespmem:$0x1FED0];
	v14 =	vor.u32 s6, v14  }
0x128: {  	v35 =	vld [tilespmem:$0x1FEB0];
	v15 =	vor.u32 v44, v1  }
0x129: {  	v45 =	vcombine.low v46, v47;
	v47 =	vcombine.low v5, v7;
	v7 =	vld [tilespmem:$0x1FEC0];
	v16 =	vor.u32 s6, v16  }
0x12a: {  	v10 =	vld.idx.msk [tilespmem:v10+s15+$0x0], $0xffff;
	[tilespmem:v17+s22+$0x0] =	vst.idx.msk $0xffff, v4  }
0x12b: {  	v46 =	vcombine.low v48, v2;
	v2 =	vld.idx.msk [tilespmem:v34+s15+$0x0], $0xffff  }
0x12c: {  	[tilespmem:v14+s22+$0x0] =	vst.idx.msk $0xffff, v11;
	v14 =	vmov v31;
	v31 =	vmov v40;
	v40 =	vld [tilespmem:$0x1FFB0]  }
0x12d: {  	v29 =	vmov v25;
	v9 =	vor.u32 s6, v35;
	v4 =	vor.u32 v45, v1;
	v5 =	vld.idx.msk [tilespmem:v15+s15+$0x0], $0xffff  }
0x12e: {  	v25 =	vmovc v37;
	v37 =	vor.u32 v46, v1;
	v7 =	vor.u32 s6, v7;
	[tilespmem:v16+s22+$0x0] =	vst.idx.msk $0xffff, v3;
	v16 =	vmov v20;
	v20 =	vld [tilespmem:$0x1FFF0]  }
0x12f: {  	v21 =	vmov v63;
	v63 =	vmov v61;
	v61 =	vld [tilespmem:$0x1FFC0];
	v48 =	vcombine.low v36, v13  }
0x130: {  	v12 =	vor.u32 s6, v12;
	v3 =	vor.u32 v47, v1  }
0x131: {  	v35 =	vld [tilespmem:$0x1FFD0];
	v1 =	vor.u32 v48, v1  }
0x132: {  	v4 =	vld.idx.msk [tilespmem:v4+s15+$0x0], $0xffff;
	[tilespmem:v9+s22+$0x0] =	vst.idx.msk $0xffff, v8;
	v9 =	vor.u32 s6, v40  }
0x133: {  	v8 =	vld.idx.msk [tilespmem:v37+s15+$0x0], $0xffff;
	[tilespmem:v7+s22+$0x0] =	vst.idx.msk $0xffff, v10;
	v7 =	vor.u32 s6, v20  }
0x134: {  	v10 =	vor.u32 s6, v61  }
0x135: {  	v3 =	vld.idx.msk [tilespmem:v3+s15+$0x0], $0xffff;
	[tilespmem:v12+s22+$0x0] =	vst.idx.msk $0xffff, v2;
	v2 =	vor.u32 s6, v33  }
0x136: {  	p1 =	sne.s32 s6, $0x70;
	v62 =	vor.u32 s6, v35;
	v1 =	vld.idx.msk [tilespmem:v1+s15+$0x0], $0xffff  }
.Ltmp0:
0x137: {  	[tilespmem:v9+s22+$0x0] =	vst.idx.msk $0xffff, v5;
	(pc) =	sbr.rel @p1 .LBB2_3-.Ltmp0, $4  }
0x138: {  	[tilespmem:v7+s22+$0x0] =	vst.idx.msk $0xffff, v4  }
0x139: {  	[tilespmem:v10+s22+$0x0] =	vst.idx.msk $0xffff, v8  }
0x13a: {  	[tilespmem:v2+s22+$0x0] =	vst.idx.msk $0xffff, v3  }
0x13b: {  	v13 =	vld [tilespmem:$0x1FFE0];
	v6 =	vmovc v22;
	v22 =	vmovc v33;
	v17 =	vmov v30;
	v34 =	vlaneseq.u32;
	v15 =	vmov v19;
	s6 =	sadd.s32 $0x10, s6;
	[tilespmem:v62+s22+$0x0] =	vst.idx.msk $0xffff, v1  }
0x13c: {  	p1 =	seq.s32 s19, $0x31  }
0x13d: {  	s4 =	sshrl.u32 @!p1 s4, $0x2  }
0x13e: {  	s10 =	simm.s32 @!p1 $0x80;
	s13 =	simm.s32 @!p1 $0x6400;
	s6 =	sadd.s32 @!p1 $0x200, s4  }
0x13f: {  	[tilespmem:s13], [sflag:$0x2] =	stream.indirect.gather @!p1 [hbm4b:s0+s10], $0x80, s6, s10, $0xb8;
	[tilespmem:$0x1A400] =	vst v63  }
0x140: {  	s13 =	sshll.u32 s19, $0x13  }
0x141: {  	s6 =	sor.u32 s5, s13  }
0x142: {  	s6 =	sshrl.u32 s6, $0x3  }
0x143: {  	s30 =	sadd.s32 s3, s6  }
0x144: {  	[hbm4b:s30+s11] =	stream.strided.scatter [tilespmem:s22], [sflag:$0x6], $0x1000, s12, s11, $0x38;
	[tilespmem:$0x1A400] =	vst v63  }
0x145: {  	_ =	swait.ge [sflag:s23], $0x4000  }
0x146: {  	[sflag:s23] =	ssyncset.done $0x0  }
0x147: {  	s10 =	simm.s32 @!p0 $0x7;
	[sflag:s23] =	ssyncadd.s32 $0xFFFFC000  }
0x148: {  	_ =	swait.ge @!p0 [sflag:s10], $0x1000  }
0x149: {  	[sflag:s10] =	ssyncset.done @!p0 $0x0;
	v33 =	vld [tilespmem:$0x1FE40]  }
0x14a: {  	v30 =	vmov v39;
	v62 =	vld [tilespmem:$0x1FE50];
	[sflag:s10] =	ssyncadd.s32 @!p0 $0xFFFFF000;
	s10 =	simm.s32 $0x0  }
.LBB2_5:
0x14b: {  	v1 =	vmov s10  }
0x14c: {  	v1 =	vshll.u32 v1, $0x7  }
0x14d: {  	v5 =	vld [tilespmem:$0x1FD90];
	v1 =	vor.u32 v18, v1  }
0x14e: {  	v8 =	vld [tilespmem:$0x1FDA0];
	v2 =	vor.u32 v34, v1;
	_ =	sdelay $0x1  }
0x14f: {  	v3 =	vor.u32 v15, v1  }
0x150: {  	v4 =	vor.u32 v16, v1  }
0x151: {  	v7 =	vor.u32 v6, v1  }
0x152: {  	v5 =	vor.u32 v5, v1;
	v8 =	vor.u32 s10, v8;
	v2 =	vld.idx.msk [tilespmem:v2+s16+$0x0], $0xffff;
	_ =	sdelay $0x1  }
0x153: {  	v3 =	vld.idx.msk [tilespmem:v3+s16+$0x0], $0xffff  }
0x154: {  	v10 =	vor.u32 s10, v59;
	v9 =	vor.u32 v31, v1;
	v4 =	vld.idx.msk [tilespmem:v4+s16+$0x0], $0xffff  }
0x155: {  	v12 =	vor.u32 s10, v26;
	v11 =	vor.u32 v25, v1;
	v7 =	vld.idx.msk [tilespmem:v7+s16+$0x0], $0xffff  }
0x156: {  	v5 =	vld.idx.msk [tilespmem:v5+s16+$0x0], $0xffff;
	[tilespmem:v8+s24+$0x0] =	vst.idx.msk $0xffff, v2;
	v2 =	vor.u32 v23, v1  }
0x157: {  	v40 =	vor.u32 s10, v24  }
0x158: {  	v61 =	vld [tilespmem:$0x1FDB0]  }
0x159: {  	v8 =	vld.idx.msk [tilespmem:v9+s16+$0x0], $0xffff;
	[tilespmem:v10+s24+$0x0] =	vst.idx.msk $0xffff, v3  }
0x15a: {  	v10 =	vld.idx.msk [tilespmem:v11+s16+$0x0], $0xffff;
	[tilespmem:v12+s24+$0x0] =	vst.idx.msk $0xffff, v4  }
0x15b: {  	v2 =	vld.idx.msk [tilespmem:v2+s16+$0x0], $0xffff  }
0x15c: {  	[tilespmem:v40+s24+$0x0] =	vst.idx.msk $0xffff, v5;
	v5 =	vld [tilespmem:$0x1FDC0]  }
0x15d: {  	v3 =	vor.u32 v29, v1;
	v11 =	vor.u32 s10, v61  }
0x15e: {  	v4 =	vor.u32 v14, v1;
	v12 =	vor.u32 s10, v27;
	_ =	sdelay $0x2  }
0x15f: {  	v36 =	vor.u32 s10, v49;
	v5 =	vor.u32 v5, v1  }
0x160: {  	v37 =	vor.u32 s10, v51;
	v3 =	vld.idx.msk [tilespmem:v3+s16+$0x0], $0xffff;
	[tilespmem:v11+s24+$0x0] =	vst.idx.msk $0xffff, v7;
	v7 =	vor.u32 v50, v1  }
0x161: {  	v4 =	vld.idx.msk [tilespmem:v4+s16+$0x0], $0xffff;
	[tilespmem:v12+s24+$0x0] =	vst.idx.msk $0xffff, v8;
	v8 =	vor.u32 v52, v1;
	v12 =	vor.u32 s10, v53;
	_ =	sdelay $0x1  }
0x162: {  	v39 =	vor.u32 v54, v1;
	v40 =	vor.u32 s10, v55  }
0x163: {  	v5 =	vld.idx.msk [tilespmem:v5+s16+$0x0], $0xffff;
	[tilespmem:v36+s24+$0x0] =	vst.idx.msk $0xffff, v10  }
0x164: {  	v61 =	vor.u32 s10, v57;
	v7 =	vld.idx.msk [tilespmem:v7+s16+$0x0], $0xffff;
	[tilespmem:v37+s24+$0x0] =	vst.idx.msk $0xffff, v2;
	v2 =	vor.u32 v56, v1  }
0x165: {  	v8 =	vld.idx.msk [tilespmem:v8+s16+$0x0], $0xffff;
	[tilespmem:v12+s24+$0x0] =	vst.idx.msk $0xffff, v3;
	v3 =	vor.u32 v28, v1  }
0x166: {  	v12 =	vor.u32 s10, v58  }
0x167: {  	v9 =	vld.idx.msk [tilespmem:v39+s16+$0x0], $0xffff;
	[tilespmem:v40+s24+$0x0] =	vst.idx.msk $0xffff, v4;
	v4 =	vor.u32 s10, v63  }
0x168: {  	v36 =	vor.u32 s10, v17  }
0x169: {  	v2 =	vld.idx.msk [tilespmem:v2+s16+$0x0], $0xffff;
	[tilespmem:v61+s24+$0x0] =	vst.idx.msk $0xffff, v5;
	v5 =	vor.u32 s10, v21  }
0x16a: {  	v37 =	vor.u32 s10, v60;
	v3 =	vld.idx.msk [tilespmem:v3+s16+$0x0], $0xffff  }
0x16b: {  	[tilespmem:v12+s24+$0x0] =	vst.idx.msk $0xffff, v7;
	v7 =	vor.u32 v32, v1  }
0x16c: {  	[tilespmem:v4+s24+$0x0] =	vst.idx.msk $0xffff, v8  }
0x16d: {  	[tilespmem:v36+s24+$0x0] =	vst.idx.msk $0xffff, v9  }
0x16e: {  	[tilespmem:v5+s24+$0x0] =	vst.idx.msk $0xffff, v2;
	v2 =	vld [tilespmem:$0x1FD50]  }
0x16f: {  	[tilespmem:v37+s24+$0x0] =	vst.idx.msk $0xffff, v3;
	v3 =	vld [tilespmem:$0x1FD60]  }
0x170: {  	v5 =	vld.idx.msk [tilespmem:v7+s16+$0x0], $0xffff  }
0x171: {  	v7 =	vld [tilespmem:$0x1FD70]  }
0x172: {  	v39 =	vld [tilespmem:$0x1FD80];
	v4 =	vor.u32 v38, v1;
	_ =	sdelay $0x1  }
0x173: {  	v8 =	vor.u32 v13, v1  }
0x174: {  	v2 =	vor.u32 v2, v1  }
0x175: {  	v36 =	vld [tilespmem:$0x1FE60];
	v3 =	vor.u32 v3, v1;
	v7 =	vor.u32 s10, v7  }
0x176: {  	v40 =	vor.u32 s10, v33;
	v9 =	vor.u32 v39, v1;
	v4 =	vld.idx.msk [tilespmem:v4+s16+$0x0], $0xffff  }
0x177: {  	v61 =	vor.u32 v30, v1;
	v37 =	vld [tilespmem:$0x1FE70]  }
0x178: {  	v12 =	vor.u32 s10, v62;
	v8 =	vld.idx.msk [tilespmem:v8+s16+$0x0], $0xffff  }
0x179: {  	v2 =	vld.idx.msk [tilespmem:v2+s16+$0x0], $0xffff  }
0x17a: {  	v3 =	vld.idx.msk [tilespmem:v3+s16+$0x0], $0xffff;
	[tilespmem:v7+s24+$0x0] =	vst.idx.msk $0xffff, v5  }
0x17b: {  	v7 =	vld.idx.msk [tilespmem:v9+s16+$0x0], $0xffff;
	[tilespmem:v40+s24+$0x0] =	vst.idx.msk $0xffff, v4  }
0x17c: {  	v10 =	vld.idx.msk [tilespmem:v61+s16+$0x0], $0xffff  }
0x17d: {  	[tilespmem:v12+s24+$0x0] =	vst.idx.msk $0xffff, v8;
	v12 =	vld [tilespmem:$0x1FE80];
	_ =	sdelay $0x1  }
0x17e: {  	v5 =	vor.u32 v0, v1;
	v9 =	vor.u32 s10, v36  }
0x17f: {  	v11 =	vor.u32 s10, v37;
	v4 =	vor.u32 v41, v1  }
0x180: {  	v8 =	vor.u32 v42, v1  }
0x181: {  	v39 =	vld [tilespmem:$0x1FE90];
	v12 =	vor.u32 s10, v12  }
0x182: {  	v40 =	vld [tilespmem:$0x1FEA0]  }
0x183: {  	v5 =	vld.idx.msk [tilespmem:v5+s16+$0x0], $0xffff;
	[tilespmem:v9+s24+$0x0] =	vst.idx.msk $0xffff, v2  }
0x184: {  	v4 =	vld.idx.msk [tilespmem:v4+s16+$0x0], $0xffff;
	[tilespmem:v11+s24+$0x0] =	vst.idx.msk $0xffff, v3  }
0x185: {  	v8 =	vld.idx.msk [tilespmem:v8+s16+$0x0], $0xffff  }
0x186: {  	[tilespmem:v12+s24+$0x0] =	vst.idx.msk $0xffff, v7;
	v12 =	vld [tilespmem:$0x1FEB0]  }
0x187: {  	v36 =	vld [tilespmem:$0x1FEC0];
	v2 =	vor.u32 v43, v1;
	v9 =	vor.u32 s10, v39;
	_ =	sdelay $0x1  }
0x188: {  	v37 =	vld [tilespmem:$0x1FED0];
	v3 =	vor.u32 v44, v1;
	v11 =	vor.u32 s10, v40;
	_ =	sdelay $0x1  }
0x189: {  	v39 =	vld [tilespmem:$0x1FFB0];
	v7 =	vor.u32 v45, v1;
	v12 =	vor.u32 s10, v12  }
0x18a: {  	v61 =	vor.u32 v46, v1;
	v2 =	vld.idx.msk [tilespmem:v2+s16+$0x0], $0xffff;
	[tilespmem:v9+s24+$0x0] =	vst.idx.msk $0xffff, v10;
	v10 =	vor.u32 s10, v36  }
0x18b: {  	v40 =	vld [tilespmem:$0x1FFC0]  }
0x18c: {  	v3 =	vld.idx.msk [tilespmem:v3+s16+$0x0], $0xffff;
	[tilespmem:v11+s24+$0x0] =	vst.idx.msk $0xffff, v5;
	v5 =	vor.u32 v47, v1;
	v11 =	vor.u32 s10, v37  }
0x18d: {  	v1 =	vor.u32 v48, v1  }
0x18e: {  	v9 =	vor.u32 s10, v39;
	v7 =	vld.idx.msk [tilespmem:v7+s16+$0x0], $0xffff;
	[tilespmem:v12+s24+$0x0] =	vst.idx.msk $0xffff, v4  }
0x18f: {  	v4 =	vld.idx.msk [tilespmem:v61+s16+$0x0], $0xffff;
	[tilespmem:v10+s24+$0x0] =	vst.idx.msk $0xffff, v8;
	v8 =	vor.u32 s10, v20  }
0x190: {  	v10 =	vor.u32 s10, v40  }
0x191: {  	v5 =	vld.idx.msk [tilespmem:v5+s16+$0x0], $0xffff;
	[tilespmem:v11+s24+$0x0] =	vst.idx.msk $0xffff, v2;
	v2 =	vor.u32 s10, v22  }
0x192: {  	p2 =	sne.s32 s10, $0x70;
	v61 =	vor.u32 s10, v35;
	v1 =	vld.idx.msk [tilespmem:v1+s16+$0x0], $0xffff  }
.Ltmp1:
0x193: {  	[tilespmem:v9+s24+$0x0] =	vst.idx.msk $0xffff, v3;
	(pc) =	sbr.rel @p2 .LBB2_5-.Ltmp1, $4  }
0x194: {  	[tilespmem:v8+s24+$0x0] =	vst.idx.msk $0xffff, v7  }
0x195: {  	[tilespmem:v10+s24+$0x0] =	vst.idx.msk $0xffff, v4  }
0x196: {  	[tilespmem:v2+s24+$0x0] =	vst.idx.msk $0xffff, v5  }
0x197: {  	s10 =	sadd.s32 $0x10, s10;
	[tilespmem:v61+s24+$0x0] =	vst.idx.msk $0xffff, v1  }
0x198: {  	s10 =	sadd.s32 @!p1 $0x280, s4;
	s13 =	simm.s32 @!p1 $0x80;
	s30 =	simm.s32 @!p1 $0xA400  }
0x199: {  	[tilespmem:s30], [sflag:$0x3] =	stream.indirect.gather @!p1 [hbm4b:s0+s13], $0x80, s10, s13, $0xb8;
	[tilespmem:$0x1A400] =	vst v63  }
0x19a: {  	s30 =	sadd.s32 s6, s7  }
0x19b: {  	[hbm4b:s30+s11] =	stream.strided.scatter [tilespmem:s24], [sflag:$0x7], $0x1000, s12, s11, $0x38;
	[tilespmem:$0x1A400] =	vst v63  }
0x19c: {  	_ =	swait.ge [sflag:s25], $0x4000  }
0x19d: {  	[sflag:s25] =	ssyncset.done $0x0  }
0x19e: {  	s10 =	simm.s32 @!p0 $0x8;
	[sflag:s25] =	ssyncadd.s32 $0xFFFFC000  }
0x19f: {  	_ =	swait.ge @!p0 [sflag:s10], $0x1000  }
0x1a0: {  	v37 =	vmov v13;
	[sflag:s10] =	ssyncset.done @!p0 $0x0;
	v12 =	vld [tilespmem:$0x1FFB0]  }
0x1a1: {  	v39 =	vmovc v38;
	v13 =	vmovc v35;
	v35 =	vmov v22;
	v40 =	vmov v62;
	v62 =	vmov v20;
	v19 =	vld [tilespmem:$0x1FFC0];
	[sflag:s10] =	ssyncadd.s32 @!p0 $0xFFFFF000;
	s10 =	simm.s32 $0x0  }
.LBB2_7:
0x1a2: {  	v1 =	vmov s10  }
0x1a3: {  	v1 =	vshll.u32 v1, $0x7  }
0x1a4: {  	v5 =	vld [tilespmem:$0x1FD90];
	v1 =	vor.u32 v18, v1  }
0x1a5: {  	v8 =	vld [tilespmem:$0x1FDA0];
	v2 =	vor.u32 v34, v1;
	_ =	sdelay $0x1  }
0x1a6: {  	v3 =	vor.u32 v15, v1  }
0x1a7: {  	v4 =	vor.u32 v16, v1  }
0x1a8: {  	v7 =	vor.u32 v6, v1  }
0x1a9: {  	v5 =	vor.u32 v5, v1;
	v8 =	vor.u32 s10, v8;
	v2 =	vld.idx.msk [tilespmem:v2+s18+$0x0], $0xffff;
	_ =	sdelay $0x1  }
0x1aa: {  	v3 =	vld.idx.msk [tilespmem:v3+s18+$0x0], $0xffff  }
0x1ab: {  	v10 =	vor.u32 s10, v59;
	v9 =	vor.u32 v31, v1;
	v4 =	vld.idx.msk [tilespmem:v4+s18+$0x0], $0xffff  }
0x1ac: {  	v61 =	vmov v12;
	v12 =	vor.u32 s10, v26;
	v11 =	vor.u32 v25, v1;
	v7 =	vld.idx.msk [tilespmem:v7+s18+$0x0], $0xffff  }
0x1ad: {  	v5 =	vld.idx.msk [tilespmem:v5+s18+$0x0], $0xffff;
	[tilespmem:v8+s26+$0x0] =	vst.idx.msk $0xffff, v2;
	v2 =	vor.u32 v23, v1  }
0x1ae: {  	v36 =	vor.u32 s10, v24  }
0x1af: {  	v38 =	vld [tilespmem:$0x1FDB0]  }
0x1b0: {  	v8 =	vld.idx.msk [tilespmem:v9+s18+$0x0], $0xffff;
	[tilespmem:v10+s26+$0x0] =	vst.idx.msk $0xffff, v3  }
0x1b1: {  	v10 =	vld.idx.msk [tilespmem:v11+s18+$0x0], $0xffff;
	[tilespmem:v12+s26+$0x0] =	vst.idx.msk $0xffff, v4  }
0x1b2: {  	v2 =	vld.idx.msk [tilespmem:v2+s18+$0x0], $0xffff  }
0x1b3: {  	[tilespmem:v36+s26+$0x0] =	vst.idx.msk $0xffff, v5;
	v5 =	vld [tilespmem:$0x1FDC0];
	_ =	sdelay $0x1  }
0x1b4: {  	v3 =	vor.u32 v29, v1;
	v11 =	vor.u32 s10, v38  }
0x1b5: {  	v4 =	vor.u32 v14, v1;
	v12 =	vor.u32 s10, v27;
	_ =	sdelay $0x1  }
0x1b6: {  	v36 =	vor.u32 s10, v49;
	v5 =	vor.u32 v5, v1;
	_ =	sdelay $0x1  }
0x1b7: {  	v38 =	vor.u32 s10, v51;
	v3 =	vld.idx.msk [tilespmem:v3+s18+$0x0], $0xffff;
	[tilespmem:v11+s26+$0x0] =	vst.idx.msk $0xffff, v7;
	v7 =	vor.u32 v50, v1  }
0x1b8: {  	v4 =	vld.idx.msk [tilespmem:v4+s18+$0x0], $0xffff;
	[tilespmem:v12+s26+$0x0] =	vst.idx.msk $0xffff, v8;
	v8 =	vor.u32 v52, v1;
	v12 =	vor.u32 s10, v53;
	_ =	sdelay $0x1  }
0x1b9: {  	v9 =	vor.u32 v54, v1;
	v5 =	vld.idx.msk [tilespmem:v5+s18+$0x0], $0xffff;
	[tilespmem:v36+s26+$0x0] =	vst.idx.msk $0xffff, v10;
	v36 =	vor.u32 s10, v55;
	_ =	sdelay $0x1  }
0x1ba: {  	v7 =	vld.idx.msk [tilespmem:v7+s18+$0x0], $0xffff;
	[tilespmem:v38+s26+$0x0] =	vst.idx.msk $0xffff, v2;
	v2 =	vor.u32 v56, v1;
	v38 =	vor.u32 s10, v57  }
0x1bb: {  	v8 =	vld.idx.msk [tilespmem:v8+s18+$0x0], $0xffff;
	[tilespmem:v12+s26+$0x0] =	vst.idx.msk $0xffff, v3;
	v3 =	vor.u32 v28, v1  }
0x1bc: {  	v12 =	vor.u32 s10, v58  }
0x1bd: {  	v9 =	vld.idx.msk [tilespmem:v9+s18+$0x0], $0xffff;
	[tilespmem:v36+s26+$0x0] =	vst.idx.msk $0xffff, v4;
	v4 =	vor.u32 s10, v63  }
0x1be: {  	v36 =	vor.u32 s10, v17  }
0x1bf: {  	v2 =	vld.idx.msk [tilespmem:v2+s18+$0x0], $0xffff;
	[tilespmem:v38+s26+$0x0] =	vst.idx.msk $0xffff, v5;
	v5 =	vor.u32 s10, v21  }
0x1c0: {  	v38 =	vor.u32 s10, v60;
	v3 =	vld.idx.msk [tilespmem:v3+s18+$0x0], $0xffff  }
0x1c1: {  	[tilespmem:v12+s26+$0x0] =	vst.idx.msk $0xffff, v7;
	v7 =	vor.u32 v32, v1  }
0x1c2: {  	[tilespmem:v4+s26+$0x0] =	vst.idx.msk $0xffff, v8  }
0x1c3: {  	[tilespmem:v36+s26+$0x0] =	vst.idx.msk $0xffff, v9  }
0x1c4: {  	[tilespmem:v5+s26+$0x0] =	vst.idx.msk $0xffff, v2;
	v2 =	vld [tilespmem:$0x1FD50]  }
0x1c5: {  	[tilespmem:v38+s26+$0x0] =	vst.idx.msk $0xffff, v3;
	v3 =	vld [tilespmem:$0x1FD60]  }
0x1c6: {  	v5 =	vld.idx.msk [tilespmem:v7+s18+$0x0], $0xffff  }
0x1c7: {  	v7 =	vld [tilespmem:$0x1FD70]  }
0x1c8: {  	v4 =	vor.u32 v39, v1;
	v36 =	vld [tilespmem:$0x1FD80]  }
0x1c9: {  	v8 =	vor.u32 v37, v1;
	_ =	sdelay $0x1  }
0x1ca: {  	v2 =	vor.u32 v2, v1  }
0x1cb: {  	v3 =	vor.u32 v3, v1;
	v7 =	vor.u32 s10, v7  }
0x1cc: {  	v10 =	vor.u32 s10, v33;
	v4 =	vld.idx.msk [tilespmem:v4+s18+$0x0], $0xffff;
	v9 =	vor.u32 v36, v1  }
0x1cd: {  	v38 =	vor.u32 v30, v1;
	v8 =	vld.idx.msk [tilespmem:v8+s18+$0x0], $0xffff  }
0x1ce: {  	v36 =	vld [tilespmem:$0x1FE60]  }
0x1cf: {  	v2 =	vld.idx.msk [tilespmem:v2+s18+$0x0], $0xffff  }
0x1d0: {  	v12 =	vor.u32 s10, v40;
	v3 =	vld.idx.msk [tilespmem:v3+s18+$0x0], $0xffff;
	[tilespmem:v7+s26+$0x0] =	vst.idx.msk $0xffff, v5  }
0x1d1: {  	v7 =	vld.idx.msk [tilespmem:v9+s18+$0x0], $0xffff;
	[tilespmem:v10+s26+$0x0] =	vst.idx.msk $0xffff, v4  }
0x1d2: {  	v10 =	vld.idx.msk [tilespmem:v38+s18+$0x0], $0xffff  }
0x1d3: {  	v38 =	vld [tilespmem:$0x1FE70];
	_ =	sdelay $0x1  }
0x1d4: {  	[tilespmem:v12+s26+$0x0] =	vst.idx.msk $0xffff, v8;
	v12 =	vld [tilespmem:$0x1FE80]  }
0x1d5: {  	v5 =	vor.u32 v0, v1;
	v9 =	vor.u32 s10, v36  }
0x1d6: {  	v4 =	vor.u32 v41, v1  }
0x1d7: {  	v11 =	vor.u32 s10, v38  }
0x1d8: {  	v8 =	vor.u32 v42, v1  }
0x1d9: {  	v36 =	vld [tilespmem:$0x1FE90];
	v12 =	vor.u32 s10, v12  }
0x1da: {  	v5 =	vld.idx.msk [tilespmem:v5+s18+$0x0], $0xffff;
	[tilespmem:v9+s26+$0x0] =	vst.idx.msk $0xffff, v2  }
0x1db: {  	v4 =	vld.idx.msk [tilespmem:v4+s18+$0x0], $0xffff  }
0x1dc: {  	v38 =	vld [tilespmem:$0x1FEA0];
	[tilespmem:v11+s26+$0x0] =	vst.idx.msk $0xffff, v3  }
0x1dd: {  	v8 =	vld.idx.msk [tilespmem:v8+s18+$0x0], $0xffff  }
0x1de: {  	[tilespmem:v12+s26+$0x0] =	vst.idx.msk $0xffff, v7;
	v12 =	vld [tilespmem:$0x1FEB0]  }
0x1df: {  	v2 =	vor.u32 v43, v1;
	v9 =	vor.u32 s10, v36  }
0x1e0: {  	v36 =	vld [tilespmem:$0x1FEC0];
	_ =	sdelay $0x1  }
0x1e1: {  	v3 =	vor.u32 v44, v1;
	v11 =	vor.u32 s10, v38;
	v38 =	vld [tilespmem:$0x1FED0]  }
0x1e2: {  	v7 =	vor.u32 v45, v1;
	v12 =	vor.u32 s10, v12  }
0x1e3: {  	v2 =	vld.idx.msk [tilespmem:v2+s18+$0x0], $0xffff;
	[tilespmem:v9+s26+$0x0] =	vst.idx.msk $0xffff, v10;
	v9 =	vor.u32 v46, v1  }
0x1e4: {  	v10 =	vor.u32 s10, v36;
	_ =	sdelay $0x1  }
0x1e5: {  	v3 =	vld.idx.msk [tilespmem:v3+s18+$0x0], $0xffff;
	[tilespmem:v11+s26+$0x0] =	vst.idx.msk $0xffff, v5;
	v5 =	vor.u32 v47, v1;
	v11 =	vor.u32 s10, v38  }
0x1e6: {  	v1 =	vor.u32 v48, v1;
	v7 =	vld.idx.msk [tilespmem:v7+s18+$0x0], $0xffff;
	[tilespmem:v12+s26+$0x0] =	vst.idx.msk $0xffff, v4  }
0x1e7: {  	v4 =	vld.idx.msk [tilespmem:v9+s18+$0x0], $0xffff;
	v9 =	vor.u32 s10, v61  }
0x1e8: {  	[tilespmem:v10+s26+$0x0] =	vst.idx.msk $0xffff, v8;
	v8 =	vor.u32 s10, v62  }
0x1e9: {  	v36 =	vor.u32 s10, v19  }
0x1ea: {  	v5 =	vld.idx.msk [tilespmem:v5+s18+$0x0], $0xffff;
	[tilespmem:v11+s26+$0x0] =	vst.idx.msk $0xffff, v2;
	v2 =	vor.u32 s10, v35  }
0x1eb: {  	p2 =	sne.s32 s10, $0x70;
	v38 =	vor.u32 s10, v13;
	v1 =	vld.idx.msk [tilespmem:v1+s18+$0x0], $0xffff  }
.Ltmp2:
0x1ec: {  	[tilespmem:v9+s26+$0x0] =	vst.idx.msk $0xffff, v3;
	(pc) =	sbr.rel @p2 .LBB2_7-.Ltmp2, $4  }
0x1ed: {  	[tilespmem:v8+s26+$0x0] =	vst.idx.msk $0xffff, v7  }
0x1ee: {  	[tilespmem:v36+s26+$0x0] =	vst.idx.msk $0xffff, v4  }
0x1ef: {  	[tilespmem:v2+s26+$0x0] =	vst.idx.msk $0xffff, v5  }
0x1f0: {  	v12 =	vmov v61;
	s10 =	sadd.s32 $0x10, s10;
	[tilespmem:v38+s26+$0x0] =	vst.idx.msk $0xffff, v1  }
0x1f1: {  	s10 =	sadd.s32 @!p1 $0x300, s4;
	s13 =	simm.s32 @!p1 $0x80;
	s30 =	simm.s32 @!p1 $0xE400  }
0x1f2: {  	[tilespmem:s30], [sflag:$0x4] =	stream.indirect.gather @!p1 [hbm4b:s0+s13], $0x80, s10, s13, $0xb8;
	[tilespmem:$0x1A400] =	vst v63  }
0x1f3: {  	s30 =	sadd.s32 s6, s8  }
0x1f4: {  	[hbm4b:s30+s11] =	stream.strided.scatter [tilespmem:s26], [sflag:$0x8], $0x1000, s12, s11, $0x38;
	[tilespmem:$0x1A400] =	vst v63  }
0x1f5: {  	_ =	swait.ge [sflag:s28], $0x4000  }
0x1f6: {  	[sflag:s28] =	ssyncset.done $0x0  }
0x1f7: {  	s10 =	simm.s32 @!p0 $0x9;
	[sflag:s28] =	ssyncadd.s32 $0xFFFFC000  }
0x1f8: {  	_ =	swait.ge @!p0 [sflag:s10], $0x1000  }
0x1f9: {  	[sflag:s10] =	ssyncset.done @!p0 $0x0  }
0x1fa: {  	[sflag:s10] =	ssyncadd.s32 @!p0 $0xFFFFF000;
	s10 =	simm.s32 $0x0  }
.LBB2_9:
0x1fb: {  	v1 =	vmov s10  }
0x1fc: {  	v1 =	vshll.u32 v1, $0x7  }
0x1fd: {  	v5 =	vld [tilespmem:$0x1FD90];
	v1 =	vor.u32 v18, v1  }
0x1fe: {  	v8 =	vld [tilespmem:$0x1FDA0];
	v2 =	vor.u32 v34, v1;
	_ =	sdelay $0x1  }
0x1ff: {  	v3 =	vor.u32 v15, v1  }
0x200: {  	v4 =	vor.u32 v16, v1  }
0x201: {  	v7 =	vor.u32 v6, v1  }
0x202: {  	v5 =	vor.u32 v5, v1;
	v8 =	vor.u32 s10, v8;
	v2 =	vld.idx.msk [tilespmem:v2+s20+$0x0], $0xffff;
	_ =	sdelay $0x1  }
0x203: {  	v3 =	vld.idx.msk [tilespmem:v3+s20+$0x0], $0xffff  }
0x204: {  	v10 =	vor.u32 s10, v59;
	v9 =	vor.u32 v31, v1;
	v4 =	vld.idx.msk [tilespmem:v4+s20+$0x0], $0xffff  }
0x205: {  	v12 =	vor.u32 s10, v26;
	v11 =	vor.u32 v25, v1;
	v7 =	vld.idx.msk [tilespmem:v7+s20+$0x0], $0xffff  }
0x206: {  	v5 =	vld.idx.msk [tilespmem:v5+s20+$0x0], $0xffff;
	[tilespmem:v8+s29+$0x0] =	vst.idx.msk $0xffff, v2;
	v2 =	vor.u32 v23, v1  }
0x207: {  	v36 =	vor.u32 s10, v24  }
0x208: {  	v38 =	vld [tilespmem:$0x1FDB0]  }
0x209: {  	v8 =	vld.idx.msk [tilespmem:v9+s20+$0x0], $0xffff;
	[tilespmem:v10+s29+$0x0] =	vst.idx.msk $0xffff, v3  }
0x20a: {  	v10 =	vld.idx.msk [tilespmem:v11+s20+$0x0], $0xffff;
	[tilespmem:v12+s29+$0x0] =	vst.idx.msk $0xffff, v4  }
0x20b: {  	v2 =	vld.idx.msk [tilespmem:v2+s20+$0x0], $0xffff  }
0x20c: {  	[tilespmem:v36+s29+$0x0] =	vst.idx.msk $0xffff, v5;
	v5 =	vld [tilespmem:$0x1FDC0];
	_ =	sdelay $0x1  }
0x20d: {  	v3 =	vor.u32 v29, v1;
	v11 =	vor.u32 s10, v38  }
0x20e: {  	v4 =	vor.u32 v14, v1;
	v12 =	vor.u32 s10, v27;
	_ =	sdelay $0x1  }
0x20f: {  	v36 =	vor.u32 s10, v49;
	v5 =	vor.u32 v5, v1;
	_ =	sdelay $0x1  }
0x210: {  	v38 =	vor.u32 s10, v51;
	v3 =	vld.idx.msk [tilespmem:v3+s20+$0x0], $0xffff;
	[tilespmem:v11+s29+$0x0] =	vst.idx.msk $0xffff, v7;
	v7 =	vor.u32 v50, v1  }
0x211: {  	v4 =	vld.idx.msk [tilespmem:v4+s20+$0x0], $0xffff;
	[tilespmem:v12+s29+$0x0] =	vst.idx.msk $0xffff, v8;
	v8 =	vor.u32 v52, v1;
	v12 =	vor.u32 s10, v53;
	_ =	sdelay $0x1  }
0x212: {  	v9 =	vor.u32 v54, v1;
	v5 =	vld.idx.msk [tilespmem:v5+s20+$0x0], $0xffff;
	[tilespmem:v36+s29+$0x0] =	vst.idx.msk $0xffff, v10;
	v36 =	vor.u32 s10, v55;
	_ =	sdelay $0x1  }
0x213: {  	v7 =	vld.idx.msk [tilespmem:v7+s20+$0x0], $0xffff;
	[tilespmem:v38+s29+$0x0] =	vst.idx.msk $0xffff, v2;
	v2 =	vor.u32 v56, v1;
	v38 =	vor.u32 s10, v57  }
0x214: {  	v8 =	vld.idx.msk [tilespmem:v8+s20+$0x0], $0xffff;
	[tilespmem:v12+s29+$0x0] =	vst.idx.msk $0xffff, v3;
	v3 =	vor.u32 v28, v1  }
0x215: {  	v12 =	vor.u32 s10, v58  }
0x216: {  	v9 =	vld.idx.msk [tilespmem:v9+s20+$0x0], $0xffff;
	[tilespmem:v36+s29+$0x0] =	vst.idx.msk $0xffff, v4;
	v4 =	vor.u32 s10, v63  }
0x217: {  	v36 =	vor.u32 s10, v17  }
0x218: {  	v2 =	vld.idx.msk [tilespmem:v2+s20+$0x0], $0xffff;
	[tilespmem:v38+s29+$0x0] =	vst.idx.msk $0xffff, v5;
	v5 =	vor.u32 s10, v21  }
0x219: {  	v38 =	vor.u32 s10, v60;
	v3 =	vld.idx.msk [tilespmem:v3+s20+$0x0], $0xffff  }
0x21a: {  	[tilespmem:v12+s29+$0x0] =	vst.idx.msk $0xffff, v7;
	v7 =	vor.u32 v32, v1  }
0x21b: {  	[tilespmem:v4+s29+$0x0] =	vst.idx.msk $0xffff, v8  }
0x21c: {  	[tilespmem:v36+s29+$0x0] =	vst.idx.msk $0xffff, v9  }
0x21d: {  	[tilespmem:v5+s29+$0x0] =	vst.idx.msk $0xffff, v2;
	v2 =	vld [tilespmem:$0x1FD50]  }
0x21e: {  	[tilespmem:v38+s29+$0x0] =	vst.idx.msk $0xffff, v3;
	v3 =	vld [tilespmem:$0x1FD60]  }
0x21f: {  	v5 =	vld.idx.msk [tilespmem:v7+s20+$0x0], $0xffff  }
0x220: {  	v7 =	vld [tilespmem:$0x1FD70]  }
0x221: {  	v4 =	vor.u32 v39, v1;
	v36 =	vld [tilespmem:$0x1FD80]  }
0x222: {  	v8 =	vor.u32 v37, v1;
	_ =	sdelay $0x1  }
0x223: {  	v2 =	vor.u32 v2, v1  }
0x224: {  	v3 =	vor.u32 v3, v1;
	v7 =	vor.u32 s10, v7  }
0x225: {  	v10 =	vor.u32 s10, v33;
	v4 =	vld.idx.msk [tilespmem:v4+s20+$0x0], $0xffff;
	v9 =	vor.u32 v36, v1  }
0x226: {  	v38 =	vor.u32 v30, v1;
	v8 =	vld.idx.msk [tilespmem:v8+s20+$0x0], $0xffff  }
0x227: {  	v36 =	vld [tilespmem:$0x1FE60]  }
0x228: {  	v2 =	vld.idx.msk [tilespmem:v2+s20+$0x0], $0xffff  }
0x229: {  	v12 =	vor.u32 s10, v40;
	v3 =	vld.idx.msk [tilespmem:v3+s20+$0x0], $0xffff;
	[tilespmem:v7+s29+$0x0] =	vst.idx.msk $0xffff, v5  }
0x22a: {  	v7 =	vld.idx.msk [tilespmem:v9+s20+$0x0], $0xffff;
	[tilespmem:v10+s29+$0x0] =	vst.idx.msk $0xffff, v4  }
0x22b: {  	v10 =	vld.idx.msk [tilespmem:v38+s20+$0x0], $0xffff  }
0x22c: {  	v38 =	vld [tilespmem:$0x1FE70];
	_ =	sdelay $0x1  }
0x22d: {  	[tilespmem:v12+s29+$0x0] =	vst.idx.msk $0xffff, v8;
	v12 =	vld [tilespmem:$0x1FE80]  }
0x22e: {  	v5 =	vor.u32 v0, v1;
	v9 =	vor.u32 s10, v36  }
0x22f: {  	v4 =	vor.u32 v41, v1  }
0x230: {  	v11 =	vor.u32 s10, v38  }
0x231: {  	v8 =	vor.u32 v42, v1  }
0x232: {  	v36 =	vld [tilespmem:$0x1FE90];
	v12 =	vor.u32 s10, v12  }
0x233: {  	v5 =	vld.idx.msk [tilespmem:v5+s20+$0x0], $0xffff;
	[tilespmem:v9+s29+$0x0] =	vst.idx.msk $0xffff, v2  }
0x234: {  	v4 =	vld.idx.msk [tilespmem:v4+s20+$0x0], $0xffff  }
0x235: {  	v38 =	vld [tilespmem:$0x1FEA0];
	[tilespmem:v11+s29+$0x0] =	vst.idx.msk $0xffff, v3  }
0x236: {  	v8 =	vld.idx.msk [tilespmem:v8+s20+$0x0], $0xffff  }
0x237: {  	[tilespmem:v12+s29+$0x0] =	vst.idx.msk $0xffff, v7;
	v12 =	vld [tilespmem:$0x1FEB0]  }
0x238: {  	v2 =	vor.u32 v43, v1;
	v9 =	vor.u32 s10, v36  }
0x239: {  	v36 =	vld [tilespmem:$0x1FEC0];
	_ =	sdelay $0x1  }
0x23a: {  	v3 =	vor.u32 v44, v1;
	v11 =	vor.u32 s10, v38;
	v38 =	vld [tilespmem:$0x1FED0]  }
0x23b: {  	v7 =	vor.u32 v45, v1;
	v12 =	vor.u32 s10, v12  }
0x23c: {  	v2 =	vld.idx.msk [tilespmem:v2+s20+$0x0], $0xffff;
	[tilespmem:v9+s29+$0x0] =	vst.idx.msk $0xffff, v10;
	v9 =	vor.u32 v46, v1  }
0x23d: {  	v10 =	vor.u32 s10, v36;
	_ =	sdelay $0x1  }
0x23e: {  	v3 =	vld.idx.msk [tilespmem:v3+s20+$0x0], $0xffff;
	[tilespmem:v11+s29+$0x0] =	vst.idx.msk $0xffff, v5;
	v5 =	vor.u32 v47, v1;
	v11 =	vor.u32 s10, v38  }
0x23f: {  	v1 =	vor.u32 v48, v1;
	v7 =	vld.idx.msk [tilespmem:v7+s20+$0x0], $0xffff;
	[tilespmem:v12+s29+$0x0] =	vst.idx.msk $0xffff, v4  }
0x240: {  	v4 =	vld.idx.msk [tilespmem:v9+s20+$0x0], $0xffff;
	v9 =	vor.u32 s10, v61  }
0x241: {  	[tilespmem:v10+s29+$0x0] =	vst.idx.msk $0xffff, v8;
	v8 =	vor.u32 s10, v62  }
0x242: {  	v36 =	vor.u32 s10, v19  }
0x243: {  	v5 =	vld.idx.msk [tilespmem:v5+s20+$0x0], $0xffff;
	[tilespmem:v11+s29+$0x0] =	vst.idx.msk $0xffff, v2;
	v2 =	vor.u32 s10, v35  }
0x244: {  	p0 =	sne.s32 s10, $0x70;
	v38 =	vor.u32 s10, v13;
	v1 =	vld.idx.msk [tilespmem:v1+s20+$0x0], $0xffff  }
.Ltmp3:
0x245: {  	[tilespmem:v9+s29+$0x0] =	vst.idx.msk $0xffff, v3;
	(pc) =	sbr.rel @p0 .LBB2_9-.Ltmp3, $4  }
0x246: {  	[tilespmem:v8+s29+$0x0] =	vst.idx.msk $0xffff, v7  }
0x247: {  	[tilespmem:v36+s29+$0x0] =	vst.idx.msk $0xffff, v4  }
0x248: {  	[tilespmem:v2+s29+$0x0] =	vst.idx.msk $0xffff, v5  }
0x249: {  	s10 =	sadd.s32 $0x10, s10;
	[tilespmem:v38+s29+$0x0] =	vst.idx.msk $0xffff, v1  }
0x24a: {  	s19 =	sadd.s32 $0x1, s19  }
0x24b: {  	p0 =	sne.s32 s19, $0x32  }
.Ltmp4:
0x24c: {  	_ = 	snop;
	(pc) =	sbr.rel @p0 .LBB2_2-.Ltmp4, $4  }
0x24d: {  	s4 =	sadd.s32 @!p1 $0x380, s4;
	s10 =	simm.s32 @!p1 $0x80;
	s13 =	simm.s32 @!p1 $0x12400  }
0x24e: {  	[tilespmem:s13], [sflag:$0x5] =	stream.indirect.gather @!p1 [hbm4b:s0+s10], $0x80, s4, s10, $0xb8;
	[tilespmem:$0x1A400] =	vst v63  }
0x24f: {  	s30 =	sadd.s32 s6, s9  }
0x250: {  	v22 =	vmov v35;
	v38 =	vmov v39;
	v13 =	vmov v37;
	[hbm4b:s30+s11] =	stream.strided.scatter [tilespmem:s29], [sflag:$0x9], $0x1000, s12, s11, $0x38;
	[tilespmem:$0x1A400] =	vst v63  }
0x251: {  	s4 =	simm.s32 $0x6  }
0x252: {  	_ =	swait.ge [sflag:s4], $0x1000  }
0x253: {  	[sflag:s4] =	ssyncset.done $0x0  }
0x254: {  	[sflag:s4] =	ssyncadd.s32 $0xFFFFF000  }
0x255: {  	_ =	swait.ge [sflag:s31], $0x1000  }
0x256: {  	[sflag:s31] =	ssyncset.done $0x0  }
0x257: {  	[sflag:s31] =	ssyncadd.s32 $0xFFFFF000  }
0x258: {  	_ =	swait.ge [sflag:s2], $0x1000  }
0x259: {  	[sflag:s2] =	ssyncset.done $0x0  }
0x25a: {  	[sflag:s2] =	ssyncadd.s32 $0xFFFFF000  }
0x25b: {  	_ =	swait.ge [sflag:s1], $0x1000  }
0x25c: {  	s17 =	sadd.s32 $0x1, s17;
	s30 =	rddreg [dreg:$0x5]  }
0x25d: {  	p0 =	sne.s32 s17, s30  }
.Ltmp5:
0x25e: {  	_ = 	snop;
	(pc) =	sbr.rel @p0 .LBB2_1-.Ltmp5, $3  }
0x25f: {  	_ =	sdelay $0x1  }
0x260: {  	[sflag:s1] =	ssyncset.done $0x0  }
0x261: {  	[sflag:s1] =	ssyncadd.s32 $0xFFFFF000  }
0x262: {  	_ =	sfence.sel $0x180000  }
0x263: {  	[bflag:$0x0] =	sbarrier.arrive $0xFFFF  }
0x264: {  	_ =	strace $0x90000047  }
0x265: {  	s0 =	stileid.u32;
	[bflag:$0x2] =	sbarrier.arrive $0xFFFF  }
0x266: {  	p0 =	sne.s32 s0, $0x0;
	s0 =	rddreg [dreg:$0x3]  }
0x267: {  	s0 =	sadd.s32 @!p0 $0x100000, s0  }
0x268: {  	[sflag:s0] =	ssyncadd.tile.s32 @!p0 $0x1;
	_ =	shalt  }
.Lfunc_end2:
_tile_overlayer_lowered:
.L_overlay_start_2:
0x269: {  	(tag) =	ssettag $0x2  }
0x26a: {  	s0 =	rddreg [dreg:$0x0];
	s2 =	stileid.u32  }
0x26b: {  	s1 =	rddreg [dreg:$0x1];
	p0 =	sne.s32 s2, $0x0  }
0x26c: {  	s3 =	rddreg [dreg:$0x2];
	[bflag:$0x3] =	sbarrier.arrive $0xFFFF;
	s2 =	simm.s32 @!p0 $0x1C0A  }
0x26d: {  	[timem:s3], [sflag:s2] =	dma.local @!p0 [hbm:s0], s1  }
0x26e: {  	s0 =	simm.s32 @!p0 $0xA  }
0x26f: {  	_ =	swait.ge @!p0 [sflag:s0], s1  }
0x270: {  	s1 =	ssub.s32 @!p0 $0x0, s1;
	[sflag:s0] =	ssyncset.done @!p0 $0x0  }
0x271: {  	[sflag:s0] =	ssyncadd.s32 @!p0 s1  }
0x272: {  	[bflag:$0x3] =	sbarrier.arrive $0xFFFF  }
0x273: {  	_ =	shalt  }

</sc_bundles>
